<compile_context>
chip_gen: v7x
topology: tpu7x:2x2x1
jax: 0.10.2.dev20260603
libtpu: 0.0.44.dev20260713+nightly
codegen_flags: <defaults>
</compile_context>

<pallas_src>
import functools

import jax
import jax.numpy as jnp
from jax import lax
from jax.experimental import pallas as pl
from jax.experimental.pallas import tpu as pltpu
from jax.experimental.pallas import tpu_sc as plsc

_D = 128
_ROW_BLK = 1000


def _proj_body(x_ref, wpt_ref, bp_ref, out_ref):
    h = jnp.dot(x_ref[...], wpt_ref[...], preferred_element_type=jnp.float32)
    out_ref[...] = jnp.maximum(h + bp_ref[...], 0.0)


def _project(x, wpt, bp):
    n = x.shape[0]
    return pl.pallas_call(
        _proj_body,
        grid=(n // _ROW_BLK,),
        in_specs=[
            pl.BlockSpec((_ROW_BLK, _D), lambda i: (i, 0)),
            pl.BlockSpec((_D, _D), lambda i: (0, 0)),
            pl.BlockSpec((1, _D), lambda i: (0, 0)),
        ],
        out_specs=pl.BlockSpec((_ROW_BLK, _D), lambda i: (i, 0)),
        out_shape=jax.ShapeDtypeStruct((n, _D), jnp.float32),
    )(x, wpt, bp)


def _combine_math(p0, p1, c0, c1, x, wlt, bl, wrt, g, b):
    cnt = jnp.maximum(c0 + c1, 1.0)
    agg = (p0 + p1) / cnt
    out = jnp.dot(agg, wlt, preferred_element_type=jnp.float32)
    out = out + bl
    out = out + jnp.dot(x, wrt, preferred_element_type=jnp.float32)
    mu = jnp.mean(out, axis=1, keepdims=True)
    ctr = out - mu
    var = jnp.mean(ctr * ctr, axis=1, keepdims=True)
    return ctr * lax.rsqrt(var + 1e-5) * g + b


def _combine_body(p0_ref, p1_ref, c0_ref, c1_ref, x_ref, wlt_ref, bl_ref,
                  wrt_ref, g_ref, b_ref, out_ref):
    out_ref[...] = _combine_math(
        p0_ref[...], p1_ref[...], c0_ref[...], c1_ref[...], x_ref[...],
        wlt_ref[...], bl_ref[...], wrt_ref[...], g_ref[...], b_ref[...])


def _fused_body(p0_ref, p1_ref, c0_ref, c1_ref, x_ref, wlt_ref, bl_ref,
                wrt_ref, g_ref, b_ref, wpt_ref, bp_ref, out_ref, hp_ref):
    y = _combine_math(
        p0_ref[...], p1_ref[...], c0_ref[...], c1_ref[...], x_ref[...],
        wlt_ref[...], bl_ref[...], wrt_ref[...], g_ref[...], b_ref[...])
    out_ref[...] = y
    h = jnp.dot(y, wpt_ref[...], preferred_element_type=jnp.float32)
    hp_ref[...] = jnp.maximum(h + bp_ref[...], 0.0)


def _combine_specs(n, npitch):
    full = lambda i: (0, 0)
    row = lambda i: (i, 0)
    shift = lambda i: (npitch // _ROW_BLK + i, 0)
    in_specs = [
        pl.BlockSpec((_ROW_BLK, _D), row),
        pl.BlockSpec((_ROW_BLK, _D), shift),
        pl.BlockSpec((_ROW_BLK, 1), row),
        pl.BlockSpec((_ROW_BLK, 1), shift),
        pl.BlockSpec((_ROW_BLK, _D), row),
        pl.BlockSpec((_D, _D), full),
        pl.BlockSpec((1, _D), full),
        pl.BlockSpec((_D, _D), full),
        pl.BlockSpec((1, _D), full),
        pl.BlockSpec((1, _D), full),
    ]
    return in_specs, row, full


def _combine(parts, cnts2, x, wlt, bl, wrt, g, b, npitch):
    n = x.shape[0]
    in_specs, row, full = _combine_specs(n, npitch)
    return pl.pallas_call(
        _combine_body,
        grid=(n // _ROW_BLK,),
        in_specs=in_specs,
        out_specs=pl.BlockSpec((_ROW_BLK, _D), row),
        out_shape=jax.ShapeDtypeStruct((n, _D), jnp.float32),
    )(parts, parts, cnts2, cnts2, x, wlt, bl, wrt, g, b)


def _fused_combine_project(parts, cnts2, x, wlt, bl, wrt, g, b, wpt, bp,
                           npitch):
    n = x.shape[0]
    in_specs, row, full = _combine_specs(n, npitch)
    in_specs += [pl.BlockSpec((_D, _D), full), pl.BlockSpec((1, _D), full)]
    return pl.pallas_call(
        _fused_body,
        grid=(n // _ROW_BLK,),
        in_specs=in_specs,
        out_specs=[pl.BlockSpec((_ROW_BLK, _D), row),
                   pl.BlockSpec((_ROW_BLK, _D), row)],
        out_shape=[jax.ShapeDtypeStruct((n, _D), jnp.float32),
                   jax.ShapeDtypeStruct((n, _D), jnp.float32)],
    )(parts, parts, cnts2, cnts2, x, wlt, bl, wrt, g, b, wpt, bp)


@functools.lru_cache(maxsize=None)
def _sc_geom(n, e):
    mesh = plsc.VectorSubcoreMesh(core_axis_name="c", subcore_axis_name="s")
    nc, ns = mesh.num_cores, mesh.num_subcores
    rpt = -(-n // (8 * ns)) * 8
    npad = rpt * ns
    npitch = -(-npad // _ROW_BLK) * _ROW_BLK
    return mesh, nc, ns, rpt, npad, npitch, e // (nc * ns)


_BLK = 125


@functools.lru_cache(maxsize=None)
def _make_segsum(n, e, with_degree):
    mesh, nc, ns, rpt, npad, npitch, epw = _sc_geom(n, e)
    nblk = epw // _BLK

    half = nblk // 2

    out_type = [jax.ShapeDtypeStruct((nc * npitch, _D), jnp.float32)]
    scratch = [
        pltpu.VMEM((half, _BLK), jnp.int32),
        pltpu.VMEM((half, _BLK), jnp.int32),
        pltpu.VMEM((_BLK, _D), jnp.float32),
        pltpu.VMEM((_BLK, _D), jnp.float32),
        pltpu.VMEM_SHARED((npad, _D), jnp.float32),
        pltpu.SemaphoreType.DMA,
        pltpu.SemaphoreType.DMA,
    ]
    if with_degree:
        out_type.append(jax.ShapeDtypeStruct((nc * npitch,), jnp.float32))
        scratch.append(pltpu.VMEM((_BLK,), jnp.float32))
        scratch.append(pltpu.VMEM((rpt,), jnp.float32))
        scratch.append(pltpu.VMEM_SHARED((npad,), jnp.float32))
    else:
        out_type = out_type[0]

    @functools.partial(pl.kernel, out_type=out_type, mesh=mesh,
                       scratch_types=scratch)
    def segsum(h_hbm, src_hbm, dst_hbm, zeros_hbm, zeros1_hbm, ones_hbm,
               *rest):
        if with_degree:
            (out_hbm, cnt_hbm, sidx_v, didx_v, rows0_v, rows1_v, agg_sh,
             gs0, gs1, ones_v, cstage_v, cnt_sh) = rest
        else:
            (out_hbm, sidx_v, didx_v, rows0_v, rows1_v, agg_sh,
             gs0, gs1) = rest
        c = lax.axis_index("c")
        s = lax.axis_index("s")
        wid = c * ns + s

        pltpu.sync_copy(zeros_hbm.at[pl.ds(s * rpt, rpt)],
                        agg_sh.at[pl.ds(s * rpt, rpt)])
        if with_degree:
            pltpu.sync_copy(ones_hbm, ones_v)
            pltpu.sync_copy(zeros1_hbm.at[pl.ds(s * rpt, rpt)], cstage_v)
            pltpu.sync_copy(cstage_v, cnt_sh.at[pl.ds(s * rpt, rpt)])
        plsc.subcore_barrier()

        def block(i, didx_ref, rows_ref):
            pltpu.sync_copy(rows_ref, agg_sh.at[didx_ref.at[i]], add=True)
            if with_degree:
                pltpu.sync_copy(ones_v, cnt_sh.at[didx_ref.at[i]], add=True)

        for hf in range(2):
            base = wid * nblk + hf * half
            pltpu.sync_copy(src_hbm.at[pl.ds(base, half)], sidx_v)
            pltpu.sync_copy(dst_hbm.at[pl.ds(base, half)], didx_v)

            pltpu.async_copy(h_hbm.at[sidx_v.at[0]], rows0_v, gs0)
            pltpu.async_copy(h_hbm.at[sidx_v.at[1]], rows1_v, gs1)

            def body(j, carry):
                i = 2 * j
                pltpu.make_async_copy(
                    h_hbm.at[sidx_v.at[i]], rows0_v, gs0).wait()
                block(i, didx_v, rows0_v)

                @pl.when(j + 1 < half // 2)
                def _():
                    pltpu.async_copy(
                        h_hbm.at[sidx_v.at[i + 2]], rows0_v, gs0)

                pltpu.make_async_copy(
                    h_hbm.at[sidx_v.at[i + 1]], rows1_v, gs1).wait()
                block(i + 1, didx_v, rows1_v)

                @pl.when(j + 1 < half // 2)
                def _():
                    pltpu.async_copy(
                        h_hbm.at[sidx_v.at[i + 3]], rows1_v, gs1)

                return carry

            lax.fori_loop(0, half // 2, body, 0)

        plsc.subcore_barrier()

        pltpu.sync_copy(agg_sh.at[pl.ds(s * rpt, rpt)],
                        out_hbm.at[pl.ds(c * npitch + s * rpt, rpt)])
        if with_degree:
            pltpu.sync_copy(cnt_sh.at[pl.ds(s * rpt, rpt)], cstage_v)
            pltpu.sync_copy(cstage_v,
                            cnt_hbm.at[pl.ds(c * npitch + s * rpt, rpt)])

    return segsum


def kernel(x, edge_index, Wp0, bp0, Wl0, bl0, Wr0, g0, b0,
           Wp1, bp1, Wl1, bl1, Wr1, g1, b1):
    n = x.shape[0]
    e = edge_index.shape[1]
    src = edge_index[0]
    dst = edge_index[1]
    src2 = src.reshape(e // _BLK, _BLK)
    dst2 = dst.reshape(e // _BLK, _BLK)
    _, nc, ns, rpt, npad, npitch, _ = _sc_geom(n, e)
    segsum0 = _make_segsum(n, e, True)
    segsum1 = _make_segsum(n, e, False)
    zeros = jnp.zeros((npad, _D), jnp.float32)
    zeros1 = jnp.zeros((npad,), jnp.float32)
    ones = jnp.ones((_BLK,), jnp.float32)

    hp0 = _project(x, Wp0.T, bp0.reshape(1, _D))
    parts0, cnts = segsum0(hp0, src2, dst2, zeros, zeros1, ones)
    cnts2 = cnts.reshape(nc * npitch, 1)
    h0, hp1 = _fused_combine_project(
        parts0, cnts2, x, Wl0.T, bl0.reshape(1, _D), Wr0.T,
        g0.reshape(1, _D), b0.reshape(1, _D), Wp1.T, bp1.reshape(1, _D),
        npitch)
    parts1 = segsum1(hp1, src2, dst2, zeros, zeros1, ones)
    h1 = _combine(parts1, cnts2, h0, Wl1.T, bl1.reshape(1, _D), Wr1.T,
                  g1.reshape(1, _D), b1.reshape(1, _D), npitch)
    return h1

# --- scband reference (transcript-rebuilt; emitter-appended) ---
"""Pipeline reference for scband-gconv-12249246728621 (READ-ONLY COPY).

The authoritative reference and input builder live on the scoring server;
editing this copy changes nothing except your own understanding.
"""

import jax, jax.numpy as jnp
import numpy as np

N = 10000
E = 320000
D = 128


def setup_inputs(seed: int = 0) -> dict:
    key = jax.random.key(seed)
    ks = jax.random.split(key, 16)
    inp = {}
    inp["x"] = jax.random.normal(ks[0], (N, D), dtype=jnp.float32)
    inp["edge_index"] = jax.random.randint(ks[1], (2, E), 0, N, dtype=jnp.int32)
    # Per-layer params for SAGEConv(project=True) + LayerNorm
    # lin_proj (weight+bias), lin_l (weight+bias), lin_r (weight, no bias), LN gamma/beta
    def w(k, shape):
        return jax.random.normal(k, shape, dtype=jnp.float32) * 0.05
    inp["Wp0"] = w(ks[2], (D, D)); inp["bp0"] = jnp.zeros((D,), jnp.float32)
    inp["Wl0"] = w(ks[3], (D, D)); inp["bl0"] = jnp.zeros((D,), jnp.float32)
    inp["Wr0"] = w(ks[4], (D, D))
    inp["g0"] = jnp.ones((D,), jnp.float32); inp["b0"] = jnp.zeros((D,), jnp.float32)
    inp["Wp1"] = w(ks[5], (D, D)); inp["bp1"] = jnp.zeros((D,), jnp.float32)
    inp["Wl1"] = w(ks[6], (D, D)); inp["bl1"] = jnp.zeros((D,), jnp.float32)
    inp["Wr1"] = w(ks[7], (D, D))
    inp["g1"] = jnp.ones((D,), jnp.float32); inp["b1"] = jnp.zeros((D,), jnp.float32)
    return inp


def _sage_ln(x, edge_index, Wp, bp, Wl, bl, Wr, g, b):
    # SAGEConv with project=True: project + relu source features
    h = jax.nn.relu(x @ Wp.T + bp)
    src = edge_index[0]
    dst = edge_index[1]
    msg = jnp.take(h, src, axis=0)
    agg = jax.ops.segment_sum(msg, dst, num_segments=x.shape[0])
    cnt = jax.ops.segment_sum(jnp.ones((msg.shape[0],), x.dtype), dst, num_segments=x.shape[0])
    agg = agg / jnp.clip(cnt, 1.0, None)[:, None]
    out = agg @ Wl.T + bl + x @ Wr.T  # mean-aggregated neighbors + root weight
    # LayerNorm
    mu = jnp.mean(out, axis=-1, keepdims=True)
    var = jnp.var(out, axis=-1, keepdims=True)
    out = (out - mu) / jnp.sqrt(var + 1e-5) * g + b
    return out


def reference(x, edge_index, Wp0, bp0, Wl0, bl0, Wr0, g0, b0, Wp1, bp1, Wl1, bl1, Wr1, g1, b1):
    h0 = _sage_ln(x, edge_index, Wp0, bp0, Wl0, bl0, Wr0, g0, b0)
    h1 = _sage_ln(h0, edge_index, Wp1, bp1, Wl1, bl1, Wr1, g1, b1)
    return h1

if __name__ == "__main__":
    import jax
    _d = setup_inputs()
    print(jax.jit(kernel)(*tuple(_d.values())))

</pallas_src>

<mosaic_0001>
#map = affine_map<(d0, d1) -> (0, 0)>
#map1 = affine_map<(d0, d1) -> (0)>
module attributes {stable_mosaic.version = 14 : i64} {
  func.func @segsum(%arg0: i32, %arg1: i32, %arg2: memref<10000x128xf32, #tpu.memory_space<hbm>>, %arg3: memref<2560x125xi32, #tpu.memory_space<hbm>>, %arg4: memref<2560x125xi32, #tpu.memory_space<hbm>>, %arg5: memref<10112x128xf32, #tpu.memory_space<hbm>>, %arg6: memref<10112xf32, #tpu.memory_space<hbm>>, %arg7: memref<125xf32, #tpu.memory_space<hbm>>, %arg8: memref<22000x128xf32, #tpu.memory_space<hbm>>, %arg9: memref<22000xf32, #tpu.memory_space<hbm>>, %arg10: memref<40x125xi32, #tpu.memory_space<vmem>>, %arg11: memref<40x125xi32, #tpu.memory_space<vmem>>, %arg12: memref<125x128xf32, #tpu.memory_space<vmem>>, %arg13: memref<125x128xf32, #tpu.memory_space<vmem>>, %arg14: memref<10112x128xf32, #tpu.memory_space<vmem_shared>>, %arg15: memref<!tpu.dma_semaphore, #tpu.memory_space<semaphore_mem>>, %arg16: memref<!tpu.dma_semaphore, #tpu.memory_space<semaphore_mem>>, %arg17: memref<125xf32, #tpu.memory_space<vmem>>, %arg18: memref<632xf32, #tpu.memory_space<vmem>>, %arg19: memref<10112xf32, #tpu.memory_space<vmem_shared>>) attributes {dimension_semantics = [#tpu.dimension_semantics<core_parallel>, #tpu.dimension_semantics<subcore_parallel>], iteration_bounds = array<i64: 2, 16>, scalar_prefetch = 0 : i64, scratch_operands = 10 : i64, tpu.core_type = #tpu.core_type<sc_vector_subcore>, window_params = [{transform_indices = #map}, {transform_indices = #map}, {transform_indices = #map}, {transform_indices = #map}, {transform_indices = #map1}, {transform_indices = #map1}, {transform_indices = #map}, {transform_indices = #map1}]} {
    %mul3A = arith.constant 16 : i32
    %mul3A_0 = arith.muli %arg0, %mul3A : i32
    %add3A = arith.addi %mul3A_0, %arg1 : i32
    %mul3A_1 = arith.constant 632 : i32
    %mul3A_2 = arith.muli %arg1, %mul3A_1 : i32
    %mul3A_3 = arith.constant 632 : i32
    %mul3A_4 = arith.muli %arg1, %mul3A_3 : i32
    "tpu.region"() ({
      %run_scoped3A = tpu.sem_alloc : memref<!tpu.dma_semaphore, #tpu.memory_space<semaphore_mem>>
      %dma_start3A_70 = arith.constant 0 : i32
      %dma_start3A_71 = tpu.memref_slice %arg14[%mul3A_4, %dma_start3A_70] : memref<10112x128xf32, #tpu.memory_space<vmem_shared>> -> memref<632x128xf32, #tpu.memory_space<vmem_shared>>
      %dma_start3A_72 = arith.constant 0 : i32
      %dma_start3A_73 = tpu.memref_slice %arg5[%mul3A_2, %dma_start3A_72] : memref<10112x128xf32, #tpu.memory_space<hbm>> -> memref<632x128xf32, #tpu.memory_space<hbm>>
      tpu.enqueue_dma source(%dma_start3A_73 : memref<632x128xf32, #tpu.memory_space<hbm>>) target(%dma_start3A_71 : memref<632x128xf32, #tpu.memory_space<vmem_shared>>) target_semaphore(%run_scoped3A : memref<!tpu.dma_semaphore, #tpu.memory_space<semaphore_mem>>)
      %dma_wait3A = arith.constant 0 : i32
      %dma_wait3A_74 = tpu.memref_slice %arg14[%mul3A_4, %dma_wait3A] : memref<10112x128xf32, #tpu.memory_space<vmem_shared>> -> memref<632x128xf32, #tpu.memory_space<vmem_shared>>
      %dma_wait3A_75 = arith.constant 0 : i32
      %dma_wait3A_76 = tpu.memref_slice %arg5[%mul3A_2, %dma_wait3A_75] : memref<10112x128xf32, #tpu.memory_space<hbm>> -> memref<632x128xf32, #tpu.memory_space<hbm>>
      tpu.wait_dma2 semaphore(%run_scoped3A : memref<!tpu.dma_semaphore, #tpu.memory_space<semaphore_mem>>) src(%dma_wait3A_76 : memref<632x128xf32, #tpu.memory_space<hbm>>) dst(%dma_wait3A_74 : memref<632x128xf32, #tpu.memory_space<vmem_shared>>)
      tpu.yield
    }) : () -> ()
    "tpu.region"() ({
      %run_scoped3A = tpu.sem_alloc : memref<!tpu.dma_semaphore, #tpu.memory_space<semaphore_mem>>
      tpu.enqueue_dma source(%arg7 : memref<125xf32, #tpu.memory_space<hbm>>) target(%arg17 : memref<125xf32, #tpu.memory_space<vmem>>) target_semaphore(%run_scoped3A : memref<!tpu.dma_semaphore, #tpu.memory_space<semaphore_mem>>)
      tpu.wait_dma2 semaphore(%run_scoped3A : memref<!tpu.dma_semaphore, #tpu.memory_space<semaphore_mem>>) src(%arg7 : memref<125xf32, #tpu.memory_space<hbm>>) dst(%arg17 : memref<125xf32, #tpu.memory_space<vmem>>)
      tpu.yield
    }) : () -> ()
    %mul3A_5 = arith.constant 632 : i32
    %mul3A_6 = arith.muli %arg1, %mul3A_5 : i32
    "tpu.region"() ({
      %run_scoped3A = tpu.sem_alloc : memref<!tpu.dma_semaphore, #tpu.memory_space<semaphore_mem>>
      %dma_start3A_70 = tpu.memref_slice %arg6[%mul3A_6] : memref<10112xf32, #tpu.memory_space<hbm>> -> memref<632xf32, #tpu.memory_space<hbm>>
      %dma_start3A_71 = tpu.memref_slice %arg6[%mul3A_6] : memref<10112xf32, #tpu.memory_space<hbm>> -> memref<632xf32, #tpu.memory_space<hbm>>
      tpu.enqueue_dma source(%dma_start3A_71 : memref<632xf32, #tpu.memory_space<hbm>>) target(%arg18 : memref<632xf32, #tpu.memory_space<vmem>>) target_semaphore(%run_scoped3A : memref<!tpu.dma_semaphore, #tpu.memory_space<semaphore_mem>>)
      %dma_wait3A = tpu.memref_slice %arg6[%mul3A_6] : memref<10112xf32, #tpu.memory_space<hbm>> -> memref<632xf32, #tpu.memory_space<hbm>>
      %dma_wait3A_72 = tpu.memref_slice %arg6[%mul3A_6] : memref<10112xf32, #tpu.memory_space<hbm>> -> memref<632xf32, #tpu.memory_space<hbm>>
      tpu.wait_dma2 semaphore(%run_scoped3A : memref<!tpu.dma_semaphore, #tpu.memory_space<semaphore_mem>>) src(%dma_wait3A_72 : memref<632xf32, #tpu.memory_space<hbm>>) dst(%arg18 : memref<632xf32, #tpu.memory_space<vmem>>)
      tpu.yield
    }) : () -> ()
    %mul3A_7 = arith.constant 632 : i32
    %mul3A_8 = arith.muli %arg1, %mul3A_7 : i32
    "tpu.region"() ({
      %run_scoped3A = tpu.sem_alloc : memref<!tpu.dma_semaphore, #tpu.memory_space<semaphore_mem>>
      %dma_start3A_70 = tpu.memref_slice %arg19[%mul3A_8] : memref<10112xf32, #tpu.memory_space<vmem_shared>> -> memref<632xf32, #tpu.memory_space<vmem_shared>>
      %dma_start3A_71 = tpu.memref_slice %arg19[%mul3A_8] : memref<10112xf32, #tpu.memory_space<vmem_shared>> -> memref<632xf32, #tpu.memory_space<vmem_shared>>
      tpu.enqueue_dma source(%arg18 : memref<632xf32, #tpu.memory_space<vmem>>) target(%dma_start3A_71 : memref<632xf32, #tpu.memory_space<vmem_shared>>) target_semaphore(%run_scoped3A : memref<!tpu.dma_semaphore, #tpu.memory_space<semaphore_mem>>)
      %dma_wait3A = tpu.memref_slice %arg19[%mul3A_8] : memref<10112xf32, #tpu.memory_space<vmem_shared>> -> memref<632xf32, #tpu.memory_space<vmem_shared>>
      %dma_wait3A_72 = tpu.memref_slice %arg19[%mul3A_8] : memref<10112xf32, #tpu.memory_space<vmem_shared>> -> memref<632xf32, #tpu.memory_space<vmem_shared>>
      tpu.wait_dma2 semaphore(%run_scoped3A : memref<!tpu.dma_semaphore, #tpu.memory_space<semaphore_mem>>) src(%arg18 : memref<632xf32, #tpu.memory_space<vmem>>) dst(%dma_wait3A_72 : memref<632xf32, #tpu.memory_space<vmem_shared>>)
      tpu.yield
    }) : () -> ()
    %barrier3A = arith.constant 0 : index
    tpu.barrier barrier_id(%barrier3A)
    %mul3A_9 = arith.constant 80 : i32
    %mul3A_10 = arith.muli %add3A, %mul3A_9 : i32
    %add3A_11 = arith.constant 0 : i32
    %add3A_12 = arith.addi %mul3A_10, %add3A_11 : i32
    "tpu.region"() ({
      %run_scoped3A = tpu.sem_alloc : memref<!tpu.dma_semaphore, #tpu.memory_space<semaphore_mem>>
      %dma_start3A_70 = arith.constant 0 : i32
      %dma_start3A_71 = tpu.memref_slice %arg3[%add3A_12, %dma_start3A_70] : memref<2560x125xi32, #tpu.memory_space<hbm>> -> memref<40x125xi32, #tpu.memory_space<hbm>>
      %dma_start3A_72 = arith.constant 0 : i32
      %dma_start3A_73 = tpu.memref_slice %arg3[%add3A_12, %dma_start3A_72] : memref<2560x125xi32, #tpu.memory_space<hbm>> -> memref<40x125xi32, #tpu.memory_space<hbm>>
      tpu.enqueue_dma source(%dma_start3A_73 : memref<40x125xi32, #tpu.memory_space<hbm>>) target(%arg10 : memref<40x125xi32, #tpu.memory_space<vmem>>) target_semaphore(%run_scoped3A : memref<!tpu.dma_semaphore, #tpu.memory_space<semaphore_mem>>)
      %dma_wait3A = arith.constant 0 : i32
      %dma_wait3A_74 = tpu.memref_slice %arg3[%add3A_12, %dma_wait3A] : memref<2560x125xi32, #tpu.memory_space<hbm>> -> memref<40x125xi32, #tpu.memory_space<hbm>>
      %dma_wait3A_75 = arith.constant 0 : i32
      %dma_wait3A_76 = tpu.memref_slice %arg3[%add3A_12, %dma_wait3A_75] : memref<2560x125xi32, #tpu.memory_space<hbm>> -> memref<40x125xi32, #tpu.memory_space<hbm>>
      tpu.wait_dma2 semaphore(%run_scoped3A : memref<!tpu.dma_semaphore, #tpu.memory_space<semaphore_mem>>) src(%dma_wait3A_76 : memref<40x125xi32, #tpu.memory_space<hbm>>) dst(%arg10 : memref<40x125xi32, #tpu.memory_space<vmem>>)
      tpu.yield
    }) : () -> ()
    "tpu.region"() ({
      %run_scoped3A = tpu.sem_alloc : memref<!tpu.dma_semaphore, #tpu.memory_space<semaphore_mem>>
      %dma_start3A_70 = arith.constant 0 : i32
      %dma_start3A_71 = tpu.memref_slice %arg4[%add3A_12, %dma_start3A_70] : memref<2560x125xi32, #tpu.memory_space<hbm>> -> memref<40x125xi32, #tpu.memory_space<hbm>>
      %dma_start3A_72 = arith.constant 0 : i32
      %dma_start3A_73 = tpu.memref_slice %arg4[%add3A_12, %dma_start3A_72] : memref<2560x125xi32, #tpu.memory_space<hbm>> -> memref<40x125xi32, #tpu.memory_space<hbm>>
      tpu.enqueue_dma source(%dma_start3A_73 : memref<40x125xi32, #tpu.memory_space<hbm>>) target(%arg11 : memref<40x125xi32, #tpu.memory_space<vmem>>) target_semaphore(%run_scoped3A : memref<!tpu.dma_semaphore, #tpu.memory_space<semaphore_mem>>)
      %dma_wait3A = arith.constant 0 : i32
      %dma_wait3A_74 = tpu.memref_slice %arg4[%add3A_12, %dma_wait3A] : memref<2560x125xi32, #tpu.memory_space<hbm>> -> memref<40x125xi32, #tpu.memory_space<hbm>>
      %dma_wait3A_75 = arith.constant 0 : i32
      %dma_wait3A_76 = tpu.memref_slice %arg4[%add3A_12, %dma_wait3A_75] : memref<2560x125xi32, #tpu.memory_space<hbm>> -> memref<40x125xi32, #tpu.memory_space<hbm>>
      tpu.wait_dma2 semaphore(%run_scoped3A : memref<!tpu.dma_semaphore, #tpu.memory_space<semaphore_mem>>) src(%dma_wait3A_76 : memref<40x125xi32, #tpu.memory_space<hbm>>) dst(%arg11 : memref<40x125xi32, #tpu.memory_space<vmem>>)
      tpu.yield
    }) : () -> ()
    %dma_start3A = arith.constant 0 : i32
    %dma_start3A_13 = arith.constant 0 : i32
    %dma_start3A_14 = tpu.memref_slice %arg10[%dma_start3A, %dma_start3A_13] : memref<40x125xi32, #tpu.memory_space<vmem>> -> memref<1x125xi32, #tpu.memory_space<vmem>>
    %dma_start3A_15 = tpu.memref_squeeze %dma_start3A_14 : memref<1x125xi32, #tpu.memory_space<vmem>> -> memref<125xi32, #tpu.memory_space<vmem>>
    %dma_start3A_16 = arith.constant 0 : i32
    %dma_start3A_17 = arith.constant 0 : i32
    %dma_start3A_18 = tpu.memref_slice %arg2[%dma_start3A_16, %dma_start3A_17] : memref<10000x128xf32, #tpu.memory_space<hbm>> -> memref<10000x128xf32, #tpu.memory_space<hbm>>
    tpu.enqueue_indirect_dma source(%dma_start3A_18 : memref<10000x128xf32, #tpu.memory_space<hbm>>) target(%arg12 : memref<125x128xf32, #tpu.memory_space<vmem>>) offsets(%dma_start3A_15 : memref<125xi32, #tpu.memory_space<vmem>>) semaphore(%arg15 : memref<!tpu.dma_semaphore, #tpu.memory_space<semaphore_mem>>)
    %dma_start3A_19 = arith.constant 1 : i32
    %dma_start3A_20 = arith.constant 0 : i32
    %dma_start3A_21 = tpu.memref_slice %arg10[%dma_start3A_19, %dma_start3A_20] : memref<40x125xi32, #tpu.memory_space<vmem>> -> memref<1x125xi32, #tpu.memory_space<vmem>>
    %dma_start3A_22 = tpu.memref_squeeze %dma_start3A_21 : memref<1x125xi32, #tpu.memory_space<vmem>> -> memref<125xi32, #tpu.memory_space<vmem>>
    %dma_start3A_23 = arith.constant 0 : i32
    %dma_start3A_24 = arith.constant 0 : i32
    %dma_start3A_25 = tpu.memref_slice %arg2[%dma_start3A_23, %dma_start3A_24] : memref<10000x128xf32, #tpu.memory_space<hbm>> -> memref<10000x128xf32, #tpu.memory_space<hbm>>
    tpu.enqueue_indirect_dma source(%dma_start3A_25 : memref<10000x128xf32, #tpu.memory_space<hbm>>) target(%arg13 : memref<125x128xf32, #tpu.memory_space<vmem>>) offsets(%dma_start3A_22 : memref<125xi32, #tpu.memory_space<vmem>>) semaphore(%arg16 : memref<!tpu.dma_semaphore, #tpu.memory_space<semaphore_mem>>)
    %scan3A = arith.constant 0 : i32
    %scan3A_26 = arith.constant 0 : i32
    %scan3A_27 = arith.constant 20 : i32
    %scan3A_28 = arith.addi %scan3A_26, %scan3A_27 : i32
    %scan3A_29 = arith.constant 1 : i32
    scf.for %scan3A_70 = %scan3A_26 to %scan3A_28 step %scan3A_29  : i32 {
      %mul3A_71 = arith.constant 2 : i32
      %mul3A_72 = arith.muli %mul3A_71, %scan3A_70 : i32
      %dma_wait3A = arith.constant 0 : i32
      %dma_wait3A_73 = tpu.memref_slice %arg10[%mul3A_72, %dma_wait3A] : memref<40x125xi32, #tpu.memory_space<vmem>> -> memref<1x125xi32, #tpu.memory_space<vmem>>
      %dma_wait3A_74 = tpu.memref_squeeze %dma_wait3A_73 : memref<1x125xi32, #tpu.memory_space<vmem>> -> memref<125xi32, #tpu.memory_space<vmem>>
      %dma_wait3A_75 = arith.constant 0 : i32
      %dma_wait3A_76 = arith.constant 0 : i32
      %dma_wait3A_77 = tpu.memref_slice %arg2[%dma_wait3A_75, %dma_wait3A_76] : memref<10000x128xf32, #tpu.memory_space<hbm>> -> memref<10000x128xf32, #tpu.memory_space<hbm>>
      tpu.wait_indirect_dma semaphore(%arg15 : memref<!tpu.dma_semaphore, #tpu.memory_space<semaphore_mem>>) src(%dma_wait3A_77 : memref<10000x128xf32, #tpu.memory_space<hbm>>) dst(%arg12 : memref<125x128xf32, #tpu.memory_space<vmem>>)
      "tpu.region"() ({
        %run_scoped3A = tpu.sem_alloc : memref<!tpu.dma_semaphore, #tpu.memory_space<semaphore_mem>>
        %dma_start3A_99 = arith.constant 0 : i32
        %dma_start3A_100 = tpu.memref_slice %arg11[%mul3A_72, %dma_start3A_99] : memref<40x125xi32, #tpu.memory_space<vmem>> -> memref<1x125xi32, #tpu.memory_space<vmem>>
        %dma_start3A_101 = tpu.memref_squeeze %dma_start3A_100 : memref<1x125xi32, #tpu.memory_space<vmem>> -> memref<125xi32, #tpu.memory_space<vmem>>
        %dma_start3A_102 = arith.constant 0 : i32
        %dma_start3A_103 = arith.constant 0 : i32
        %dma_start3A_104 = tpu.memref_slice %arg14[%dma_start3A_102, %dma_start3A_103] : memref<10112x128xf32, #tpu.memory_space<vmem_shared>> -> memref<10112x128xf32, #tpu.memory_space<vmem_shared>>
        tpu.enqueue_indirect_dma source(%arg12 : memref<125x128xf32, #tpu.memory_space<vmem>>) target(%dma_start3A_104 : memref<10112x128xf32, #tpu.memory_space<vmem_shared>>) offsets(%dma_start3A_101 : memref<125xi32, #tpu.memory_space<vmem>>) semaphore(%run_scoped3A : memref<!tpu.dma_semaphore, #tpu.memory_space<semaphore_mem>>) {add = true}
        %dma_wait3A_105 = arith.constant 0 : i32
        %dma_wait3A_106 = tpu.memref_slice %arg11[%mul3A_72, %dma_wait3A_105] : memref<40x125xi32, #tpu.memory_space<vmem>> -> memref<1x125xi32, #tpu.memory_space<vmem>>
        %dma_wait3A_107 = tpu.memref_squeeze %dma_wait3A_106 : memref<1x125xi32, #tpu.memory_space<vmem>> -> memref<125xi32, #tpu.memory_space<vmem>>
        %dma_wait3A_108 = arith.constant 0 : i32
        %dma_wait3A_109 = arith.constant 0 : i32
        %dma_wait3A_110 = tpu.memref_slice %arg14[%dma_wait3A_108, %dma_wait3A_109] : memref<10112x128xf32, #tpu.memory_space<vmem_shared>> -> memref<10112x128xf32, #tpu.memory_space<vmem_shared>>
        tpu.wait_indirect_dma semaphore(%run_scoped3A : memref<!tpu.dma_semaphore, #tpu.memory_space<semaphore_mem>>) src(%arg12 : memref<125x128xf32, #tpu.memory_space<vmem>>) dst(%dma_wait3A_110 : memref<10112x128xf32, #tpu.memory_space<vmem_shared>>)
        tpu.yield
      }) : () -> ()
      "tpu.region"() ({
        %run_scoped3A = tpu.sem_alloc : memref<!tpu.dma_semaphore, #tpu.memory_space<semaphore_mem>>
        %dma_start3A_99 = arith.constant 0 : i32
        %dma_start3A_100 = tpu.memref_slice %arg11[%mul3A_72, %dma_start3A_99] : memref<40x125xi32, #tpu.memory_space<vmem>> -> memref<1x125xi32, #tpu.memory_space<vmem>>
        %dma_start3A_101 = tpu.memref_squeeze %dma_start3A_100 : memref<1x125xi32, #tpu.memory_space<vmem>> -> memref<125xi32, #tpu.memory_space<vmem>>
        %dma_start3A_102 = arith.constant 0 : i32
        %dma_start3A_103 = tpu.memref_slice %arg19[%dma_start3A_102] : memref<10112xf32, #tpu.memory_space<vmem_shared>> -> memref<10112xf32, #tpu.memory_space<vmem_shared>>
        tpu.enqueue_indirect_dma source(%arg17 : memref<125xf32, #tpu.memory_space<vmem>>) target(%dma_start3A_103 : memref<10112xf32, #tpu.memory_space<vmem_shared>>) offsets(%dma_start3A_101 : memref<125xi32, #tpu.memory_space<vmem>>) semaphore(%run_scoped3A : memref<!tpu.dma_semaphore, #tpu.memory_space<semaphore_mem>>) {add = true}
        %dma_wait3A_104 = arith.constant 0 : i32
        %dma_wait3A_105 = tpu.memref_slice %arg11[%mul3A_72, %dma_wait3A_104] : memref<40x125xi32, #tpu.memory_space<vmem>> -> memref<1x125xi32, #tpu.memory_space<vmem>>
        %dma_wait3A_106 = tpu.memref_squeeze %dma_wait3A_105 : memref<1x125xi32, #tpu.memory_space<vmem>> -> memref<125xi32, #tpu.memory_space<vmem>>
        %dma_wait3A_107 = arith.constant 0 : i32
        %dma_wait3A_108 = tpu.memref_slice %arg19[%dma_wait3A_107] : memref<10112xf32, #tpu.memory_space<vmem_shared>> -> memref<10112xf32, #tpu.memory_space<vmem_shared>>
        tpu.wait_indirect_dma semaphore(%run_scoped3A : memref<!tpu.dma_semaphore, #tpu.memory_space<semaphore_mem>>) src(%arg17 : memref<125xf32, #tpu.memory_space<vmem>>) dst(%dma_wait3A_108 : memref<10112xf32, #tpu.memory_space<vmem_shared>>)
        tpu.yield
      }) : () -> ()
      %add3A_78 = arith.constant 1 : i32
      %add3A_79 = arith.addi %scan3A_70, %add3A_78 : i32
      %lt3A = arith.constant 20 : i32
      %lt3A_80 = arith.cmpi slt, %add3A_79, %lt3A : i32
      %convert_element_type3A = arith.extui %lt3A_80 : i1 to i32
      %cond3A = arith.constant 0 : i32
      %cond3A_81 = arith.cmpi ne, %convert_element_type3A, %cond3A : i32
      scf.if %cond3A_81 {
        %add3A_99 = arith.constant 2 : i32
        %add3A_100 = arith.addi %mul3A_72, %add3A_99 : i32
        %dma_start3A_101 = arith.constant 0 : i32
        %dma_start3A_102 = tpu.memref_slice %arg10[%add3A_100, %dma_start3A_101] : memref<40x125xi32, #tpu.memory_space<vmem>> -> memref<1x125xi32, #tpu.memory_space<vmem>>
        %dma_start3A_103 = tpu.memref_squeeze %dma_start3A_102 : memref<1x125xi32, #tpu.memory_space<vmem>> -> memref<125xi32, #tpu.memory_space<vmem>>
        %dma_start3A_104 = arith.constant 0 : i32
        %dma_start3A_105 = arith.constant 0 : i32
        %dma_start3A_106 = tpu.memref_slice %arg2[%dma_start3A_104, %dma_start3A_105] : memref<10000x128xf32, #tpu.memory_space<hbm>> -> memref<10000x128xf32, #tpu.memory_space<hbm>>
        tpu.enqueue_indirect_dma source(%dma_start3A_106 : memref<10000x128xf32, #tpu.memory_space<hbm>>) target(%arg12 : memref<125x128xf32, #tpu.memory_space<vmem>>) offsets(%dma_start3A_103 : memref<125xi32, #tpu.memory_space<vmem>>) semaphore(%arg15 : memref<!tpu.dma_semaphore, #tpu.memory_space<semaphore_mem>>)
      } else {
      }
      %add3A_82 = arith.constant 1 : i32
      %add3A_83 = arith.addi %mul3A_72, %add3A_82 : i32
      %dma_wait3A_84 = arith.constant 0 : i32
      %dma_wait3A_85 = tpu.memref_slice %arg10[%add3A_83, %dma_wait3A_84] : memref<40x125xi32, #tpu.memory_space<vmem>> -> memref<1x125xi32, #tpu.memory_space<vmem>>
      %dma_wait3A_86 = tpu.memref_squeeze %dma_wait3A_85 : memref<1x125xi32, #tpu.memory_space<vmem>> -> memref<125xi32, #tpu.memory_space<vmem>>
      %dma_wait3A_87 = arith.constant 0 : i32
      %dma_wait3A_88 = arith.constant 0 : i32
      %dma_wait3A_89 = tpu.memref_slice %arg2[%dma_wait3A_87, %dma_wait3A_88] : memref<10000x128xf32, #tpu.memory_space<hbm>> -> memref<10000x128xf32, #tpu.memory_space<hbm>>
      tpu.wait_indirect_dma semaphore(%arg16 : memref<!tpu.dma_semaphore, #tpu.memory_space<semaphore_mem>>) src(%dma_wait3A_89 : memref<10000x128xf32, #tpu.memory_space<hbm>>) dst(%arg13 : memref<125x128xf32, #tpu.memory_space<vmem>>)
      %add3A_90 = arith.constant 1 : i32
      %add3A_91 = arith.addi %mul3A_72, %add3A_90 : i32
      "tpu.region"() ({
        %run_scoped3A = tpu.sem_alloc : memref<!tpu.dma_semaphore, #tpu.memory_space<semaphore_mem>>
        %dma_start3A_99 = arith.constant 0 : i32
        %dma_start3A_100 = tpu.memref_slice %arg11[%add3A_91, %dma_start3A_99] : memref<40x125xi32, #tpu.memory_space<vmem>> -> memref<1x125xi32, #tpu.memory_space<vmem>>
        %dma_start3A_101 = tpu.memref_squeeze %dma_start3A_100 : memref<1x125xi32, #tpu.memory_space<vmem>> -> memref<125xi32, #tpu.memory_space<vmem>>
        %dma_start3A_102 = arith.constant 0 : i32
        %dma_start3A_103 = arith.constant 0 : i32
        %dma_start3A_104 = tpu.memref_slice %arg14[%dma_start3A_102, %dma_start3A_103] : memref<10112x128xf32, #tpu.memory_space<vmem_shared>> -> memref<10112x128xf32, #tpu.memory_space<vmem_shared>>
        tpu.enqueue_indirect_dma source(%arg13 : memref<125x128xf32, #tpu.memory_space<vmem>>) target(%dma_start3A_104 : memref<10112x128xf32, #tpu.memory_space<vmem_shared>>) offsets(%dma_start3A_101 : memref<125xi32, #tpu.memory_space<vmem>>) semaphore(%run_scoped3A : memref<!tpu.dma_semaphore, #tpu.memory_space<semaphore_mem>>) {add = true}
        %dma_wait3A_105 = arith.constant 0 : i32
        %dma_wait3A_106 = tpu.memref_slice %arg11[%add3A_91, %dma_wait3A_105] : memref<40x125xi32, #tpu.memory_space<vmem>> -> memref<1x125xi32, #tpu.memory_space<vmem>>
        %dma_wait3A_107 = tpu.memref_squeeze %dma_wait3A_106 : memref<1x125xi32, #tpu.memory_space<vmem>> -> memref<125xi32, #tpu.memory_space<vmem>>
        %dma_wait3A_108 = arith.constant 0 : i32
        %dma_wait3A_109 = arith.constant 0 : i32
        %dma_wait3A_110 = tpu.memref_slice %arg14[%dma_wait3A_108, %dma_wait3A_109] : memref<10112x128xf32, #tpu.memory_space<vmem_shared>> -> memref<10112x128xf32, #tpu.memory_space<vmem_shared>>
        tpu.wait_indirect_dma semaphore(%run_scoped3A : memref<!tpu.dma_semaphore, #tpu.memory_space<semaphore_mem>>) src(%arg13 : memref<125x128xf32, #tpu.memory_space<vmem>>) dst(%dma_wait3A_110 : memref<10112x128xf32, #tpu.memory_space<vmem_shared>>)
        tpu.yield
      }) : () -> ()
      "tpu.region"() ({
        %run_scoped3A = tpu.sem_alloc : memref<!tpu.dma_semaphore, #tpu.memory_space<semaphore_mem>>
        %dma_start3A_99 = arith.constant 0 : i32
        %dma_start3A_100 = tpu.memref_slice %arg11[%add3A_91, %dma_start3A_99] : memref<40x125xi32, #tpu.memory_space<vmem>> -> memref<1x125xi32, #tpu.memory_space<vmem>>
        %dma_start3A_101 = tpu.memref_squeeze %dma_start3A_100 : memref<1x125xi32, #tpu.memory_space<vmem>> -> memref<125xi32, #tpu.memory_space<vmem>>
        %dma_start3A_102 = arith.constant 0 : i32
        %dma_start3A_103 = tpu.memref_slice %arg19[%dma_start3A_102] : memref<10112xf32, #tpu.memory_space<vmem_shared>> -> memref<10112xf32, #tpu.memory_space<vmem_shared>>
        tpu.enqueue_indirect_dma source(%arg17 : memref<125xf32, #tpu.memory_space<vmem>>) target(%dma_start3A_103 : memref<10112xf32, #tpu.memory_space<vmem_shared>>) offsets(%dma_start3A_101 : memref<125xi32, #tpu.memory_space<vmem>>) semaphore(%run_scoped3A : memref<!tpu.dma_semaphore, #tpu.memory_space<semaphore_mem>>) {add = true}
        %dma_wait3A_104 = arith.constant 0 : i32
        %dma_wait3A_105 = tpu.memref_slice %arg11[%add3A_91, %dma_wait3A_104] : memref<40x125xi32, #tpu.memory_space<vmem>> -> memref<1x125xi32, #tpu.memory_space<vmem>>
        %dma_wait3A_106 = tpu.memref_squeeze %dma_wait3A_105 : memref<1x125xi32, #tpu.memory_space<vmem>> -> memref<125xi32, #tpu.memory_space<vmem>>
        %dma_wait3A_107 = arith.constant 0 : i32
        %dma_wait3A_108 = tpu.memref_slice %arg19[%dma_wait3A_107] : memref<10112xf32, #tpu.memory_space<vmem_shared>> -> memref<10112xf32, #tpu.memory_space<vmem_shared>>
        tpu.wait_indirect_dma semaphore(%run_scoped3A : memref<!tpu.dma_semaphore, #tpu.memory_space<semaphore_mem>>) src(%arg17 : memref<125xf32, #tpu.memory_space<vmem>>) dst(%dma_wait3A_108 : memref<10112xf32, #tpu.memory_space<vmem_shared>>)
        tpu.yield
      }) : () -> ()
      %add3A_92 = arith.constant 1 : i32
      %add3A_93 = arith.addi %scan3A_70, %add3A_92 : i32
      %lt3A_94 = arith.constant 20 : i32
      %lt3A_95 = arith.cmpi slt, %add3A_93, %lt3A_94 : i32
      %convert_element_type3A_96 = arith.extui %lt3A_95 : i1 to i32
      %cond3A_97 = arith.constant 0 : i32
      %cond3A_98 = arith.cmpi ne, %convert_element_type3A_96, %cond3A_97 : i32
      scf.if %cond3A_98 {
        %add3A_99 = arith.constant 3 : i32
        %add3A_100 = arith.addi %mul3A_72, %add3A_99 : i32
        %dma_start3A_101 = arith.constant 0 : i32
        %dma_start3A_102 = tpu.memref_slice %arg10[%add3A_100, %dma_start3A_101] : memref<40x125xi32, #tpu.memory_space<vmem>> -> memref<1x125xi32, #tpu.memory_space<vmem>>
        %dma_start3A_103 = tpu.memref_squeeze %dma_start3A_102 : memref<1x125xi32, #tpu.memory_space<vmem>> -> memref<125xi32, #tpu.memory_space<vmem>>
        %dma_start3A_104 = arith.constant 0 : i32
        %dma_start3A_105 = arith.constant 0 : i32
        %dma_start3A_106 = tpu.memref_slice %arg2[%dma_start3A_104, %dma_start3A_105] : memref<10000x128xf32, #tpu.memory_space<hbm>> -> memref<10000x128xf32, #tpu.memory_space<hbm>>
        tpu.enqueue_indirect_dma source(%dma_start3A_106 : memref<10000x128xf32, #tpu.memory_space<hbm>>) target(%arg13 : memref<125x128xf32, #tpu.memory_space<vmem>>) offsets(%dma_start3A_103 : memref<125xi32, #tpu.memory_space<vmem>>) semaphore(%arg16 : memref<!tpu.dma_semaphore, #tpu.memory_space<semaphore_mem>>)
      } else {
      }
    }
    %scan3A_30 = arith.constant 20 : i32
    %mul3A_31 = arith.constant 80 : i32
    %mul3A_32 = arith.muli %add3A, %mul3A_31 : i32
    %add3A_33 = arith.constant 40 : i32
    %add3A_34 = arith.addi %mul3A_32, %add3A_33 : i32
    "tpu.region"() ({
      %run_scoped3A = tpu.sem_alloc : memref<!tpu.dma_semaphore, #tpu.memory_space<semaphore_mem>>
      %dma_start3A_70 = arith.constant 0 : i32
      %dma_start3A_71 = tpu.memref_slice %arg3[%add3A_34, %dma_start3A_70] : memref<2560x125xi32, #tpu.memory_space<hbm>> -> memref<40x125xi32, #tpu.memory_space<hbm>>
      %dma_start3A_72 = arith.constant 0 : i32
      %dma_start3A_73 = tpu.memref_slice %arg3[%add3A_34, %dma_start3A_72] : memref<2560x125xi32, #tpu.memory_space<hbm>> -> memref<40x125xi32, #tpu.memory_space<hbm>>
      tpu.enqueue_dma source(%dma_start3A_73 : memref<40x125xi32, #tpu.memory_space<hbm>>) target(%arg10 : memref<40x125xi32, #tpu.memory_space<vmem>>) target_semaphore(%run_scoped3A : memref<!tpu.dma_semaphore, #tpu.memory_space<semaphore_mem>>)
      %dma_wait3A = arith.constant 0 : i32
      %dma_wait3A_74 = tpu.memref_slice %arg3[%add3A_34, %dma_wait3A] : memref<2560x125xi32, #tpu.memory_space<hbm>> -> memref<40x125xi32, #tpu.memory_space<hbm>>
      %dma_wait3A_75 = arith.constant 0 : i32
      %dma_wait3A_76 = tpu.memref_slice %arg3[%add3A_34, %dma_wait3A_75] : memref<2560x125xi32, #tpu.memory_space<hbm>> -> memref<40x125xi32, #tpu.memory_space<hbm>>
      tpu.wait_dma2 semaphore(%run_scoped3A : memref<!tpu.dma_semaphore, #tpu.memory_space<semaphore_mem>>) src(%dma_wait3A_76 : memref<40x125xi32, #tpu.memory_space<hbm>>) dst(%arg10 : memref<40x125xi32, #tpu.memory_space<vmem>>)
      tpu.yield
    }) : () -> ()
    "tpu.region"() ({
      %run_scoped3A = tpu.sem_alloc : memref<!tpu.dma_semaphore, #tpu.memory_space<semaphore_mem>>
      %dma_start3A_70 = arith.constant 0 : i32
      %dma_start3A_71 = tpu.memref_slice %arg4[%add3A_34, %dma_start3A_70] : memref<2560x125xi32, #tpu.memory_space<hbm>> -> memref<40x125xi32, #tpu.memory_space<hbm>>
      %dma_start3A_72 = arith.constant 0 : i32
      %dma_start3A_73 = tpu.memref_slice %arg4[%add3A_34, %dma_start3A_72] : memref<2560x125xi32, #tpu.memory_space<hbm>> -> memref<40x125xi32, #tpu.memory_space<hbm>>
      tpu.enqueue_dma source(%dma_start3A_73 : memref<40x125xi32, #tpu.memory_space<hbm>>) target(%arg11 : memref<40x125xi32, #tpu.memory_space<vmem>>) target_semaphore(%run_scoped3A : memref<!tpu.dma_semaphore, #tpu.memory_space<semaphore_mem>>)
      %dma_wait3A = arith.constant 0 : i32
      %dma_wait3A_74 = tpu.memref_slice %arg4[%add3A_34, %dma_wait3A] : memref<2560x125xi32, #tpu.memory_space<hbm>> -> memref<40x125xi32, #tpu.memory_space<hbm>>
      %dma_wait3A_75 = arith.constant 0 : i32
      %dma_wait3A_76 = tpu.memref_slice %arg4[%add3A_34, %dma_wait3A_75] : memref<2560x125xi32, #tpu.memory_space<hbm>> -> memref<40x125xi32, #tpu.memory_space<hbm>>
      tpu.wait_dma2 semaphore(%run_scoped3A : memref<!tpu.dma_semaphore, #tpu.memory_space<semaphore_mem>>) src(%dma_wait3A_76 : memref<40x125xi32, #tpu.memory_space<hbm>>) dst(%arg11 : memref<40x125xi32, #tpu.memory_space<vmem>>)
      tpu.yield
    }) : () -> ()
    %dma_start3A_35 = arith.constant 0 : i32
    %dma_start3A_36 = arith.constant 0 : i32
    %dma_start3A_37 = tpu.memref_slice %arg10[%dma_start3A_35, %dma_start3A_36] : memref<40x125xi32, #tpu.memory_space<vmem>> -> memref<1x125xi32, #tpu.memory_space<vmem>>
    %dma_start3A_38 = tpu.memref_squeeze %dma_start3A_37 : memref<1x125xi32, #tpu.memory_space<vmem>> -> memref<125xi32, #tpu.memory_space<vmem>>
    %dma_start3A_39 = arith.constant 0 : i32
    %dma_start3A_40 = arith.constant 0 : i32
    %dma_start3A_41 = tpu.memref_slice %arg2[%dma_start3A_39, %dma_start3A_40] : memref<10000x128xf32, #tpu.memory_space<hbm>> -> memref<10000x128xf32, #tpu.memory_space<hbm>>
    tpu.enqueue_indirect_dma source(%dma_start3A_41 : memref<10000x128xf32, #tpu.memory_space<hbm>>) target(%arg12 : memref<125x128xf32, #tpu.memory_space<vmem>>) offsets(%dma_start3A_38 : memref<125xi32, #tpu.memory_space<vmem>>) semaphore(%arg15 : memref<!tpu.dma_semaphore, #tpu.memory_space<semaphore_mem>>)
    %dma_start3A_42 = arith.constant 1 : i32
    %dma_start3A_43 = arith.constant 0 : i32
    %dma_start3A_44 = tpu.memref_slice %arg10[%dma_start3A_42, %dma_start3A_43] : memref<40x125xi32, #tpu.memory_space<vmem>> -> memref<1x125xi32, #tpu.memory_space<vmem>>
    %dma_start3A_45 = tpu.memref_squeeze %dma_start3A_44 : memref<1x125xi32, #tpu.memory_space<vmem>> -> memref<125xi32, #tpu.memory_space<vmem>>
    %dma_start3A_46 = arith.constant 0 : i32
    %dma_start3A_47 = arith.constant 0 : i32
    %dma_start3A_48 = tpu.memref_slice %arg2[%dma_start3A_46, %dma_start3A_47] : memref<10000x128xf32, #tpu.memory_space<hbm>> -> memref<10000x128xf32, #tpu.memory_space<hbm>>
    tpu.enqueue_indirect_dma source(%dma_start3A_48 : memref<10000x128xf32, #tpu.memory_space<hbm>>) target(%arg13 : memref<125x128xf32, #tpu.memory_space<vmem>>) offsets(%dma_start3A_45 : memref<125xi32, #tpu.memory_space<vmem>>) semaphore(%arg16 : memref<!tpu.dma_semaphore, #tpu.memory_space<semaphore_mem>>)
    %scan3A_49 = arith.constant 0 : i32
    %scan3A_50 = arith.constant 0 : i32
    %scan3A_51 = arith.constant 20 : i32
    %scan3A_52 = arith.addi %scan3A_50, %scan3A_51 : i32
    %scan3A_53 = arith.constant 1 : i32
    scf.for %scan3A_70 = %scan3A_50 to %scan3A_52 step %scan3A_53  : i32 {
      %mul3A_71 = arith.constant 2 : i32
      %mul3A_72 = arith.muli %mul3A_71, %scan3A_70 : i32
      %dma_wait3A = arith.constant 0 : i32
      %dma_wait3A_73 = tpu.memref_slice %arg10[%mul3A_72, %dma_wait3A] : memref<40x125xi32, #tpu.memory_space<vmem>> -> memref<1x125xi32, #tpu.memory_space<vmem>>
      %dma_wait3A_74 = tpu.memref_squeeze %dma_wait3A_73 : memref<1x125xi32, #tpu.memory_space<vmem>> -> memref<125xi32, #tpu.memory_space<vmem>>
      %dma_wait3A_75 = arith.constant 0 : i32
      %dma_wait3A_76 = arith.constant 0 : i32
      %dma_wait3A_77 = tpu.memref_slice %arg2[%dma_wait3A_75, %dma_wait3A_76] : memref<10000x128xf32, #tpu.memory_space<hbm>> -> memref<10000x128xf32, #tpu.memory_space<hbm>>
      tpu.wait_indirect_dma semaphore(%arg15 : memref<!tpu.dma_semaphore, #tpu.memory_space<semaphore_mem>>) src(%dma_wait3A_77 : memref<10000x128xf32, #tpu.memory_space<hbm>>) dst(%arg12 : memref<125x128xf32, #tpu.memory_space<vmem>>)
      "tpu.region"() ({
        %run_scoped3A = tpu.sem_alloc : memref<!tpu.dma_semaphore, #tpu.memory_space<semaphore_mem>>
        %dma_start3A_99 = arith.constant 0 : i32
        %dma_start3A_100 = tpu.memref_slice %arg11[%mul3A_72, %dma_start3A_99] : memref<40x125xi32, #tpu.memory_space<vmem>> -> memref<1x125xi32, #tpu.memory_space<vmem>>
        %dma_start3A_101 = tpu.memref_squeeze %dma_start3A_100 : memref<1x125xi32, #tpu.memory_space<vmem>> -> memref<125xi32, #tpu.memory_space<vmem>>
        %dma_start3A_102 = arith.constant 0 : i32
        %dma_start3A_103 = arith.constant 0 : i32
        %dma_start3A_104 = tpu.memref_slice %arg14[%dma_start3A_102, %dma_start3A_103] : memref<10112x128xf32, #tpu.memory_space<vmem_shared>> -> memref<10112x128xf32, #tpu.memory_space<vmem_shared>>
        tpu.enqueue_indirect_dma source(%arg12 : memref<125x128xf32, #tpu.memory_space<vmem>>) target(%dma_start3A_104 : memref<10112x128xf32, #tpu.memory_space<vmem_shared>>) offsets(%dma_start3A_101 : memref<125xi32, #tpu.memory_space<vmem>>) semaphore(%run_scoped3A : memref<!tpu.dma_semaphore, #tpu.memory_space<semaphore_mem>>) {add = true}
        %dma_wait3A_105 = arith.constant 0 : i32
        %dma_wait3A_106 = tpu.memref_slice %arg11[%mul3A_72, %dma_wait3A_105] : memref<40x125xi32, #tpu.memory_space<vmem>> -> memref<1x125xi32, #tpu.memory_space<vmem>>
        %dma_wait3A_107 = tpu.memref_squeeze %dma_wait3A_106 : memref<1x125xi32, #tpu.memory_space<vmem>> -> memref<125xi32, #tpu.memory_space<vmem>>
        %dma_wait3A_108 = arith.constant 0 : i32
        %dma_wait3A_109 = arith.constant 0 : i32
        %dma_wait3A_110 = tpu.memref_slice %arg14[%dma_wait3A_108, %dma_wait3A_109] : memref<10112x128xf32, #tpu.memory_space<vmem_shared>> -> memref<10112x128xf32, #tpu.memory_space<vmem_shared>>
        tpu.wait_indirect_dma semaphore(%run_scoped3A : memref<!tpu.dma_semaphore, #tpu.memory_space<semaphore_mem>>) src(%arg12 : memref<125x128xf32, #tpu.memory_space<vmem>>) dst(%dma_wait3A_110 : memref<10112x128xf32, #tpu.memory_space<vmem_shared>>)
        tpu.yield
      }) : () -> ()
      "tpu.region"() ({
        %run_scoped3A = tpu.sem_alloc : memref<!tpu.dma_semaphore, #tpu.memory_space<semaphore_mem>>
        %dma_start3A_99 = arith.constant 0 : i32
        %dma_start3A_100 = tpu.memref_slice %arg11[%mul3A_72, %dma_start3A_99] : memref<40x125xi32, #tpu.memory_space<vmem>> -> memref<1x125xi32, #tpu.memory_space<vmem>>
        %dma_start3A_101 = tpu.memref_squeeze %dma_start3A_100 : memref<1x125xi32, #tpu.memory_space<vmem>> -> memref<125xi32, #tpu.memory_space<vmem>>
        %dma_start3A_102 = arith.constant 0 : i32
        %dma_start3A_103 = tpu.memref_slice %arg19[%dma_start3A_102] : memref<10112xf32, #tpu.memory_space<vmem_shared>> -> memref<10112xf32, #tpu.memory_space<vmem_shared>>
        tpu.enqueue_indirect_dma source(%arg17 : memref<125xf32, #tpu.memory_space<vmem>>) target(%dma_start3A_103 : memref<10112xf32, #tpu.memory_space<vmem_shared>>) offsets(%dma_start3A_101 : memref<125xi32, #tpu.memory_space<vmem>>) semaphore(%run_scoped3A : memref<!tpu.dma_semaphore, #tpu.memory_space<semaphore_mem>>) {add = true}
        %dma_wait3A_104 = arith.constant 0 : i32
        %dma_wait3A_105 = tpu.memref_slice %arg11[%mul3A_72, %dma_wait3A_104] : memref<40x125xi32, #tpu.memory_space<vmem>> -> memref<1x125xi32, #tpu.memory_space<vmem>>
        %dma_wait3A_106 = tpu.memref_squeeze %dma_wait3A_105 : memref<1x125xi32, #tpu.memory_space<vmem>> -> memref<125xi32, #tpu.memory_space<vmem>>
        %dma_wait3A_107 = arith.constant 0 : i32
        %dma_wait3A_108 = tpu.memref_slice %arg19[%dma_wait3A_107] : memref<10112xf32, #tpu.memory_space<vmem_shared>> -> memref<10112xf32, #tpu.memory_space<vmem_shared>>
        tpu.wait_indirect_dma semaphore(%run_scoped3A : memref<!tpu.dma_semaphore, #tpu.memory_space<semaphore_mem>>) src(%arg17 : memref<125xf32, #tpu.memory_space<vmem>>) dst(%dma_wait3A_108 : memref<10112xf32, #tpu.memory_space<vmem_shared>>)
        tpu.yield
      }) : () -> ()
      %add3A_78 = arith.constant 1 : i32
      %add3A_79 = arith.addi %scan3A_70, %add3A_78 : i32
      %lt3A = arith.constant 20 : i32
      %lt3A_80 = arith.cmpi slt, %add3A_79, %lt3A : i32
      %convert_element_type3A = arith.extui %lt3A_80 : i1 to i32
      %cond3A = arith.constant 0 : i32
      %cond3A_81 = arith.cmpi ne, %convert_element_type3A, %cond3A : i32
      scf.if %cond3A_81 {
        %add3A_99 = arith.constant 2 : i32
        %add3A_100 = arith.addi %mul3A_72, %add3A_99 : i32
        %dma_start3A_101 = arith.constant 0 : i32
        %dma_start3A_102 = tpu.memref_slice %arg10[%add3A_100, %dma_start3A_101] : memref<40x125xi32, #tpu.memory_space<vmem>> -> memref<1x125xi32, #tpu.memory_space<vmem>>
        %dma_start3A_103 = tpu.memref_squeeze %dma_start3A_102 : memref<1x125xi32, #tpu.memory_space<vmem>> -> memref<125xi32, #tpu.memory_space<vmem>>
        %dma_start3A_104 = arith.constant 0 : i32
        %dma_start3A_105 = arith.constant 0 : i32
        %dma_start3A_106 = tpu.memref_slice %arg2[%dma_start3A_104, %dma_start3A_105] : memref<10000x128xf32, #tpu.memory_space<hbm>> -> memref<10000x128xf32, #tpu.memory_space<hbm>>
        tpu.enqueue_indirect_dma source(%dma_start3A_106 : memref<10000x128xf32, #tpu.memory_space<hbm>>) target(%arg12 : memref<125x128xf32, #tpu.memory_space<vmem>>) offsets(%dma_start3A_103 : memref<125xi32, #tpu.memory_space<vmem>>) semaphore(%arg15 : memref<!tpu.dma_semaphore, #tpu.memory_space<semaphore_mem>>)
      } else {
      }
      %add3A_82 = arith.constant 1 : i32
      %add3A_83 = arith.addi %mul3A_72, %add3A_82 : i32
      %dma_wait3A_84 = arith.constant 0 : i32
      %dma_wait3A_85 = tpu.memref_slice %arg10[%add3A_83, %dma_wait3A_84] : memref<40x125xi32, #tpu.memory_space<vmem>> -> memref<1x125xi32, #tpu.memory_space<vmem>>
      %dma_wait3A_86 = tpu.memref_squeeze %dma_wait3A_85 : memref<1x125xi32, #tpu.memory_space<vmem>> -> memref<125xi32, #tpu.memory_space<vmem>>
      %dma_wait3A_87 = arith.constant 0 : i32
      %dma_wait3A_88 = arith.constant 0 : i32
      %dma_wait3A_89 = tpu.memref_slice %arg2[%dma_wait3A_87, %dma_wait3A_88] : memref<10000x128xf32, #tpu.memory_space<hbm>> -> memref<10000x128xf32, #tpu.memory_space<hbm>>
      tpu.wait_indirect_dma semaphore(%arg16 : memref<!tpu.dma_semaphore, #tpu.memory_space<semaphore_mem>>) src(%dma_wait3A_89 : memref<10000x128xf32, #tpu.memory_space<hbm>>) dst(%arg13 : memref<125x128xf32, #tpu.memory_space<vmem>>)
      %add3A_90 = arith.constant 1 : i32
      %add3A_91 = arith.addi %mul3A_72, %add3A_90 : i32
      "tpu.region"() ({
        %run_scoped3A = tpu.sem_alloc : memref<!tpu.dma_semaphore, #tpu.memory_space<semaphore_mem>>
        %dma_start3A_99 = arith.constant 0 : i32
        %dma_start3A_100 = tpu.memref_slice %arg11[%add3A_91, %dma_start3A_99] : memref<40x125xi32, #tpu.memory_space<vmem>> -> memref<1x125xi32, #tpu.memory_space<vmem>>
        %dma_start3A_101 = tpu.memref_squeeze %dma_start3A_100 : memref<1x125xi32, #tpu.memory_space<vmem>> -> memref<125xi32, #tpu.memory_space<vmem>>
        %dma_start3A_102 = arith.constant 0 : i32
        %dma_start3A_103 = arith.constant 0 : i32
        %dma_start3A_104 = tpu.memref_slice %arg14[%dma_start3A_102, %dma_start3A_103] : memref<10112x128xf32, #tpu.memory_space<vmem_shared>> -> memref<10112x128xf32, #tpu.memory_space<vmem_shared>>
        tpu.enqueue_indirect_dma source(%arg13 : memref<125x128xf32, #tpu.memory_space<vmem>>) target(%dma_start3A_104 : memref<10112x128xf32, #tpu.memory_space<vmem_shared>>) offsets(%dma_start3A_101 : memref<125xi32, #tpu.memory_space<vmem>>) semaphore(%run_scoped3A : memref<!tpu.dma_semaphore, #tpu.memory_space<semaphore_mem>>) {add = true}
        %dma_wait3A_105 = arith.constant 0 : i32
        %dma_wait3A_106 = tpu.memref_slice %arg11[%add3A_91, %dma_wait3A_105] : memref<40x125xi32, #tpu.memory_space<vmem>> -> memref<1x125xi32, #tpu.memory_space<vmem>>
        %dma_wait3A_107 = tpu.memref_squeeze %dma_wait3A_106 : memref<1x125xi32, #tpu.memory_space<vmem>> -> memref<125xi32, #tpu.memory_space<vmem>>
        %dma_wait3A_108 = arith.constant 0 : i32
        %dma_wait3A_109 = arith.constant 0 : i32
        %dma_wait3A_110 = tpu.memref_slice %arg14[%dma_wait3A_108, %dma_wait3A_109] : memref<10112x128xf32, #tpu.memory_space<vmem_shared>> -> memref<10112x128xf32, #tpu.memory_space<vmem_shared>>
        tpu.wait_indirect_dma semaphore(%run_scoped3A : memref<!tpu.dma_semaphore, #tpu.memory_space<semaphore_mem>>) src(%arg13 : memref<125x128xf32, #tpu.memory_space<vmem>>) dst(%dma_wait3A_110 : memref<10112x128xf32, #tpu.memory_space<vmem_shared>>)
        tpu.yield
      }) : () -> ()
      "tpu.region"() ({
        %run_scoped3A = tpu.sem_alloc : memref<!tpu.dma_semaphore, #tpu.memory_space<semaphore_mem>>
        %dma_start3A_99 = arith.constant 0 : i32
        %dma_start3A_100 = tpu.memref_slice %arg11[%add3A_91, %dma_start3A_99] : memref<40x125xi32, #tpu.memory_space<vmem>> -> memref<1x125xi32, #tpu.memory_space<vmem>>
        %dma_start3A_101 = tpu.memref_squeeze %dma_start3A_100 : memref<1x125xi32, #tpu.memory_space<vmem>> -> memref<125xi32, #tpu.memory_space<vmem>>
        %dma_start3A_102 = arith.constant 0 : i32
        %dma_start3A_103 = tpu.memref_slice %arg19[%dma_start3A_102] : memref<10112xf32, #tpu.memory_space<vmem_shared>> -> memref<10112xf32, #tpu.memory_space<vmem_shared>>
        tpu.enqueue_indirect_dma source(%arg17 : memref<125xf32, #tpu.memory_space<vmem>>) target(%dma_start3A_103 : memref<10112xf32, #tpu.memory_space<vmem_shared>>) offsets(%dma_start3A_101 : memref<125xi32, #tpu.memory_space<vmem>>) semaphore(%run_scoped3A : memref<!tpu.dma_semaphore, #tpu.memory_space<semaphore_mem>>) {add = true}
        %dma_wait3A_104 = arith.constant 0 : i32
        %dma_wait3A_105 = tpu.memref_slice %arg11[%add3A_91, %dma_wait3A_104] : memref<40x125xi32, #tpu.memory_space<vmem>> -> memref<1x125xi32, #tpu.memory_space<vmem>>
        %dma_wait3A_106 = tpu.memref_squeeze %dma_wait3A_105 : memref<1x125xi32, #tpu.memory_space<vmem>> -> memref<125xi32, #tpu.memory_space<vmem>>
        %dma_wait3A_107 = arith.constant 0 : i32
        %dma_wait3A_108 = tpu.memref_slice %arg19[%dma_wait3A_107] : memref<10112xf32, #tpu.memory_space<vmem_shared>> -> memref<10112xf32, #tpu.memory_space<vmem_shared>>
        tpu.wait_indirect_dma semaphore(%run_scoped3A : memref<!tpu.dma_semaphore, #tpu.memory_space<semaphore_mem>>) src(%arg17 : memref<125xf32, #tpu.memory_space<vmem>>) dst(%dma_wait3A_108 : memref<10112xf32, #tpu.memory_space<vmem_shared>>)
        tpu.yield
      }) : () -> ()
      %add3A_92 = arith.constant 1 : i32
      %add3A_93 = arith.addi %scan3A_70, %add3A_92 : i32
      %lt3A_94 = arith.constant 20 : i32
      %lt3A_95 = arith.cmpi slt, %add3A_93, %lt3A_94 : i32
      %convert_element_type3A_96 = arith.extui %lt3A_95 : i1 to i32
      %cond3A_97 = arith.constant 0 : i32
      %cond3A_98 = arith.cmpi ne, %convert_element_type3A_96, %cond3A_97 : i32
      scf.if %cond3A_98 {
        %add3A_99 = arith.constant 3 : i32
        %add3A_100 = arith.addi %mul3A_72, %add3A_99 : i32
        %dma_start3A_101 = arith.constant 0 : i32
        %dma_start3A_102 = tpu.memref_slice %arg10[%add3A_100, %dma_start3A_101] : memref<40x125xi32, #tpu.memory_space<vmem>> -> memref<1x125xi32, #tpu.memory_space<vmem>>
        %dma_start3A_103 = tpu.memref_squeeze %dma_start3A_102 : memref<1x125xi32, #tpu.memory_space<vmem>> -> memref<125xi32, #tpu.memory_space<vmem>>
        %dma_start3A_104 = arith.constant 0 : i32
        %dma_start3A_105 = arith.constant 0 : i32
        %dma_start3A_106 = tpu.memref_slice %arg2[%dma_start3A_104, %dma_start3A_105] : memref<10000x128xf32, #tpu.memory_space<hbm>> -> memref<10000x128xf32, #tpu.memory_space<hbm>>
        tpu.enqueue_indirect_dma source(%dma_start3A_106 : memref<10000x128xf32, #tpu.memory_space<hbm>>) target(%arg13 : memref<125x128xf32, #tpu.memory_space<vmem>>) offsets(%dma_start3A_103 : memref<125xi32, #tpu.memory_space<vmem>>) semaphore(%arg16 : memref<!tpu.dma_semaphore, #tpu.memory_space<semaphore_mem>>)
      } else {
      }
    }
    %scan3A_54 = arith.constant 20 : i32
    %barrier3A_55 = arith.constant 0 : index
    tpu.barrier barrier_id(%barrier3A_55)
    %mul3A_56 = arith.constant 632 : i32
    %mul3A_57 = arith.muli %arg1, %mul3A_56 : i32
    %mul3A_58 = arith.constant 11000 : i32
    %mul3A_59 = arith.muli %arg0, %mul3A_58 : i32
    %mul3A_60 = arith.constant 632 : i32
    %mul3A_61 = arith.muli %arg1, %mul3A_60 : i32
    %add3A_62 = arith.addi %mul3A_59, %mul3A_61 : i32
    "tpu.region"() ({
      %run_scoped3A = tpu.sem_alloc : memref<!tpu.dma_semaphore, #tpu.memory_space<semaphore_mem>>
      %dma_start3A_70 = arith.constant 0 : i32
      %dma_start3A_71 = tpu.memref_slice %arg8[%add3A_62, %dma_start3A_70] : memref<22000x128xf32, #tpu.memory_space<hbm>> -> memref<632x128xf32, #tpu.memory_space<hbm>>
      %dma_start3A_72 = arith.constant 0 : i32
      %dma_start3A_73 = tpu.memref_slice %arg14[%mul3A_57, %dma_start3A_72] : memref<10112x128xf32, #tpu.memory_space<vmem_shared>> -> memref<632x128xf32, #tpu.memory_space<vmem_shared>>
      tpu.enqueue_dma source(%dma_start3A_73 : memref<632x128xf32, #tpu.memory_space<vmem_shared>>) target(%dma_start3A_71 : memref<632x128xf32, #tpu.memory_space<hbm>>) target_semaphore(%run_scoped3A : memref<!tpu.dma_semaphore, #tpu.memory_space<semaphore_mem>>)
      %dma_wait3A = arith.constant 0 : i32
      %dma_wait3A_74 = tpu.memref_slice %arg8[%add3A_62, %dma_wait3A] : memref<22000x128xf32, #tpu.memory_space<hbm>> -> memref<632x128xf32, #tpu.memory_space<hbm>>
      %dma_wait3A_75 = arith.constant 0 : i32
      %dma_wait3A_76 = tpu.memref_slice %arg14[%mul3A_57, %dma_wait3A_75] : memref<10112x128xf32, #tpu.memory_space<vmem_shared>> -> memref<632x128xf32, #tpu.memory_space<vmem_shared>>
      tpu.wait_dma2 semaphore(%run_scoped3A : memref<!tpu.dma_semaphore, #tpu.memory_space<semaphore_mem>>) src(%dma_wait3A_76 : memref<632x128xf32, #tpu.memory_space<vmem_shared>>) dst(%dma_wait3A_74 : memref<632x128xf32, #tpu.memory_space<hbm>>)
      tpu.yield
    }) : () -> ()
    %mul3A_63 = arith.constant 632 : i32
    %mul3A_64 = arith.muli %arg1, %mul3A_63 : i32
    "tpu.region"() ({
      %run_scoped3A = tpu.sem_alloc : memref<!tpu.dma_semaphore, #tpu.memory_space<semaphore_mem>>
      %dma_start3A_70 = tpu.memref_slice %arg19[%mul3A_64] : memref<10112xf32, #tpu.memory_space<vmem_shared>> -> memref<632xf32, #tpu.memory_space<vmem_shared>>
      %dma_start3A_71 = tpu.memref_slice %arg19[%mul3A_64] : memref<10112xf32, #tpu.memory_space<vmem_shared>> -> memref<632xf32, #tpu.memory_space<vmem_shared>>
      tpu.enqueue_dma source(%dma_start3A_71 : memref<632xf32, #tpu.memory_space<vmem_shared>>) target(%arg18 : memref<632xf32, #tpu.memory_space<vmem>>) target_semaphore(%run_scoped3A : memref<!tpu.dma_semaphore, #tpu.memory_space<semaphore_mem>>)
      %dma_wait3A = tpu.memref_slice %arg19[%mul3A_64] : memref<10112xf32, #tpu.memory_space<vmem_shared>> -> memref<632xf32, #tpu.memory_space<vmem_shared>>
      %dma_wait3A_72 = tpu.memref_slice %arg19[%mul3A_64] : memref<10112xf32, #tpu.memory_space<vmem_shared>> -> memref<632xf32, #tpu.memory_space<vmem_shared>>
      tpu.wait_dma2 semaphore(%run_scoped3A : memref<!tpu.dma_semaphore, #tpu.memory_space<semaphore_mem>>) src(%dma_wait3A_72 : memref<632xf32, #tpu.memory_space<vmem_shared>>) dst(%arg18 : memref<632xf32, #tpu.memory_space<vmem>>)
      tpu.yield
    }) : () -> ()
    %mul3A_65 = arith.constant 11000 : i32
    %mul3A_66 = arith.muli %arg0, %mul3A_65 : i32
    %mul3A_67 = arith.constant 632 : i32
    %mul3A_68 = arith.muli %arg1, %mul3A_67 : i32
    %add3A_69 = arith.addi %mul3A_66, %mul3A_68 : i32
    "tpu.region"() ({
      %run_scoped3A = tpu.sem_alloc : memref<!tpu.dma_semaphore, #tpu.memory_space<semaphore_mem>>
      %dma_start3A_70 = tpu.memref_slice %arg9[%add3A_69] : memref<22000xf32, #tpu.memory_space<hbm>> -> memref<632xf32, #tpu.memory_space<hbm>>
      %dma_start3A_71 = tpu.memref_slice %arg9[%add3A_69] : memref<22000xf32, #tpu.memory_space<hbm>> -> memref<632xf32, #tpu.memory_space<hbm>>
      tpu.enqueue_dma source(%arg18 : memref<632xf32, #tpu.memory_space<vmem>>) target(%dma_start3A_71 : memref<632xf32, #tpu.memory_space<hbm>>) target_semaphore(%run_scoped3A : memref<!tpu.dma_semaphore, #tpu.memory_space<semaphore_mem>>)
      %dma_wait3A = tpu.memref_slice %arg9[%add3A_69] : memref<22000xf32, #tpu.memory_space<hbm>> -> memref<632xf32, #tpu.memory_space<hbm>>
      %dma_wait3A_72 = tpu.memref_slice %arg9[%add3A_69] : memref<22000xf32, #tpu.memory_space<hbm>> -> memref<632xf32, #tpu.memory_space<hbm>>
      tpu.wait_dma2 semaphore(%run_scoped3A : memref<!tpu.dma_semaphore, #tpu.memory_space<semaphore_mem>>) src(%arg18 : memref<632xf32, #tpu.memory_space<vmem>>) dst(%dma_wait3A_72 : memref<632xf32, #tpu.memory_space<hbm>>)
      tpu.yield
    }) : () -> ()
    return
  }
}

#map = affine_map<(d0, d1) -> (0, 0)>
#map1 = affine_map<(d0, d1) -> (0)>
module attributes {stable_mosaic.version = 14 : i64} {
  func.func @segsum(%arg0: i32, %arg1: i32, %arg2: memref<10000x128xf32, #tpu.memory_space<hbm>>, %arg3: memref<2560x125xi32, #tpu.memory_space<hbm>>, %arg4: memref<2560x125xi32, #tpu.memory_space<hbm>>, %arg5: memref<10112x128xf32, #tpu.memory_space<hbm>>, %arg6: memref<10112xf32, #tpu.memory_space<hbm>>, %arg7: memref<125xf32, #tpu.memory_space<hbm>>, %arg8: memref<22000x128xf32, #tpu.memory_space<hbm>>, %arg9: memref<40x125xi32, #tpu.memory_space<vmem>>, %arg10: memref<40x125xi32, #tpu.memory_space<vmem>>, %arg11: memref<125x128xf32, #tpu.memory_space<vmem>>, %arg12: memref<125x128xf32, #tpu.memory_space<vmem>>, %arg13: memref<10112x128xf32, #tpu.memory_space<vmem_shared>>, %arg14: memref<!tpu.dma_semaphore, #tpu.memory_space<semaphore_mem>>, %arg15: memref<!tpu.dma_semaphore, #tpu.memory_space<semaphore_mem>>) attributes {dimension_semantics = [#tpu.dimension_semantics<core_parallel>, #tpu.dimension_semantics<subcore_parallel>], iteration_bounds = array<i64: 2, 16>, scalar_prefetch = 0 : i64, scratch_operands = 7 : i64, tpu.core_type = #tpu.core_type<sc_vector_subcore>, window_params = [{transform_indices = #map}, {transform_indices = #map}, {transform_indices = #map}, {transform_indices = #map}, {transform_indices = #map1}, {transform_indices = #map1}, {transform_indices = #map}]} {
    %mul3A = arith.constant 16 : i32
    %mul3A_0 = arith.muli %arg0, %mul3A : i32
    %add3A = arith.addi %mul3A_0, %arg1 : i32
    %mul3A_1 = arith.constant 632 : i32
    %mul3A_2 = arith.muli %arg1, %mul3A_1 : i32
    %mul3A_3 = arith.constant 632 : i32
    %mul3A_4 = arith.muli %arg1, %mul3A_3 : i32
    "tpu.region"() ({
      %run_scoped3A = tpu.sem_alloc : memref<!tpu.dma_semaphore, #tpu.memory_space<semaphore_mem>>
      %dma_start3A_59 = arith.constant 0 : i32
      %dma_start3A_60 = tpu.memref_slice %arg13[%mul3A_4, %dma_start3A_59] : memref<10112x128xf32, #tpu.memory_space<vmem_shared>> -> memref<632x128xf32, #tpu.memory_space<vmem_shared>>
      %dma_start3A_61 = arith.constant 0 : i32
      %dma_start3A_62 = tpu.memref_slice %arg5[%mul3A_2, %dma_start3A_61] : memref<10112x128xf32, #tpu.memory_space<hbm>> -> memref<632x128xf32, #tpu.memory_space<hbm>>
      tpu.enqueue_dma source(%dma_start3A_62 : memref<632x128xf32, #tpu.memory_space<hbm>>) target(%dma_start3A_60 : memref<632x128xf32, #tpu.memory_space<vmem_shared>>) target_semaphore(%run_scoped3A : memref<!tpu.dma_semaphore, #tpu.memory_space<semaphore_mem>>)
      %dma_wait3A = arith.constant 0 : i32
      %dma_wait3A_63 = tpu.memref_slice %arg13[%mul3A_4, %dma_wait3A] : memref<10112x128xf32, #tpu.memory_space<vmem_shared>> -> memref<632x128xf32, #tpu.memory_space<vmem_shared>>
      %dma_wait3A_64 = arith.constant 0 : i32
      %dma_wait3A_65 = tpu.memref_slice %arg5[%mul3A_2, %dma_wait3A_64] : memref<10112x128xf32, #tpu.memory_space<hbm>> -> memref<632x128xf32, #tpu.memory_space<hbm>>
      tpu.wait_dma2 semaphore(%run_scoped3A : memref<!tpu.dma_semaphore, #tpu.memory_space<semaphore_mem>>) src(%dma_wait3A_65 : memref<632x128xf32, #tpu.memory_space<hbm>>) dst(%dma_wait3A_63 : memref<632x128xf32, #tpu.memory_space<vmem_shared>>)
      tpu.yield
    }) : () -> ()
    %barrier3A = arith.constant 0 : index
    tpu.barrier barrier_id(%barrier3A)
    %mul3A_5 = arith.constant 80 : i32
    %mul3A_6 = arith.muli %add3A, %mul3A_5 : i32
    %add3A_7 = arith.constant 0 : i32
    %add3A_8 = arith.addi %mul3A_6, %add3A_7 : i32
    "tpu.region"() ({
      %run_scoped3A = tpu.sem_alloc : memref<!tpu.dma_semaphore, #tpu.memory_space<semaphore_mem>>
      %dma_start3A_59 = arith.constant 0 : i32
      %dma_start3A_60 = tpu.memref_slice %arg3[%add3A_8, %dma_start3A_59] : memref<2560x125xi32, #tpu.memory_space<hbm>> -> memref<40x125xi32, #tpu.memory_space<hbm>>
      %dma_start3A_61 = arith.constant 0 : i32
      %dma_start3A_62 = tpu.memref_slice %arg3[%add3A_8, %dma_start3A_61] : memref<2560x125xi32, #tpu.memory_space<hbm>> -> memref<40x125xi32, #tpu.memory_space<hbm>>
      tpu.enqueue_dma source(%dma_start3A_62 : memref<40x125xi32, #tpu.memory_space<hbm>>) target(%arg9 : memref<40x125xi32, #tpu.memory_space<vmem>>) target_semaphore(%run_scoped3A : memref<!tpu.dma_semaphore, #tpu.memory_space<semaphore_mem>>)
      %dma_wait3A = arith.constant 0 : i32
      %dma_wait3A_63 = tpu.memref_slice %arg3[%add3A_8, %dma_wait3A] : memref<2560x125xi32, #tpu.memory_space<hbm>> -> memref<40x125xi32, #tpu.memory_space<hbm>>
      %dma_wait3A_64 = arith.constant 0 : i32
      %dma_wait3A_65 = tpu.memref_slice %arg3[%add3A_8, %dma_wait3A_64] : memref<2560x125xi32, #tpu.memory_space<hbm>> -> memref<40x125xi32, #tpu.memory_space<hbm>>
      tpu.wait_dma2 semaphore(%run_scoped3A : memref<!tpu.dma_semaphore, #tpu.memory_space<semaphore_mem>>) src(%dma_wait3A_65 : memref<40x125xi32, #tpu.memory_space<hbm>>) dst(%arg9 : memref<40x125xi32, #tpu.memory_space<vmem>>)
      tpu.yield
    }) : () -> ()
    "tpu.region"() ({
      %run_scoped3A = tpu.sem_alloc : memref<!tpu.dma_semaphore, #tpu.memory_space<semaphore_mem>>
      %dma_start3A_59 = arith.constant 0 : i32
      %dma_start3A_60 = tpu.memref_slice %arg4[%add3A_8, %dma_start3A_59] : memref<2560x125xi32, #tpu.memory_space<hbm>> -> memref<40x125xi32, #tpu.memory_space<hbm>>
      %dma_start3A_61 = arith.constant 0 : i32
      %dma_start3A_62 = tpu.memref_slice %arg4[%add3A_8, %dma_start3A_61] : memref<2560x125xi32, #tpu.memory_space<hbm>> -> memref<40x125xi32, #tpu.memory_space<hbm>>
      tpu.enqueue_dma source(%dma_start3A_62 : memref<40x125xi32, #tpu.memory_space<hbm>>) target(%arg10 : memref<40x125xi32, #tpu.memory_space<vmem>>) target_semaphore(%run_scoped3A : memref<!tpu.dma_semaphore, #tpu.memory_space<semaphore_mem>>)
      %dma_wait3A = arith.constant 0 : i32
      %dma_wait3A_63 = tpu.memref_slice %arg4[%add3A_8, %dma_wait3A] : memref<2560x125xi32, #tpu.memory_space<hbm>> -> memref<40x125xi32, #tpu.memory_space<hbm>>
      %dma_wait3A_64 = arith.constant 0 : i32
      %dma_wait3A_65 = tpu.memref_slice %arg4[%add3A_8, %dma_wait3A_64] : memref<2560x125xi32, #tpu.memory_space<hbm>> -> memref<40x125xi32, #tpu.memory_space<hbm>>
      tpu.wait_dma2 semaphore(%run_scoped3A : memref<!tpu.dma_semaphore, #tpu.memory_space<semaphore_mem>>) src(%dma_wait3A_65 : memref<40x125xi32, #tpu.memory_space<hbm>>) dst(%arg10 : memref<40x125xi32, #tpu.memory_space<vmem>>)
      tpu.yield
    }) : () -> ()
    %dma_start3A = arith.constant 0 : i32
    %dma_start3A_9 = arith.constant 0 : i32
    %dma_start3A_10 = tpu.memref_slice %arg9[%dma_start3A, %dma_start3A_9] : memref<40x125xi32, #tpu.memory_space<vmem>> -> memref<1x125xi32, #tpu.memory_space<vmem>>
    %dma_start3A_11 = tpu.memref_squeeze %dma_start3A_10 : memref<1x125xi32, #tpu.memory_space<vmem>> -> memref<125xi32, #tpu.memory_space<vmem>>
    %dma_start3A_12 = arith.constant 0 : i32
    %dma_start3A_13 = arith.constant 0 : i32
    %dma_start3A_14 = tpu.memref_slice %arg2[%dma_start3A_12, %dma_start3A_13] : memref<10000x128xf32, #tpu.memory_space<hbm>> -> memref<10000x128xf32, #tpu.memory_space<hbm>>
    tpu.enqueue_indirect_dma source(%dma_start3A_14 : memref<10000x128xf32, #tpu.memory_space<hbm>>) target(%arg11 : memref<125x128xf32, #tpu.memory_space<vmem>>) offsets(%dma_start3A_11 : memref<125xi32, #tpu.memory_space<vmem>>) semaphore(%arg14 : memref<!tpu.dma_semaphore, #tpu.memory_space<semaphore_mem>>)
    %dma_start3A_15 = arith.constant 1 : i32
    %dma_start3A_16 = arith.constant 0 : i32
    %dma_start3A_17 = tpu.memref_slice %arg9[%dma_start3A_15, %dma_start3A_16] : memref<40x125xi32, #tpu.memory_space<vmem>> -> memref<1x125xi32, #tpu.memory_space<vmem>>
    %dma_start3A_18 = tpu.memref_squeeze %dma_start3A_17 : memref<1x125xi32, #tpu.memory_space<vmem>> -> memref<125xi32, #tpu.memory_space<vmem>>
    %dma_start3A_19 = arith.constant 0 : i32
    %dma_start3A_20 = arith.constant 0 : i32
    %dma_start3A_21 = tpu.memref_slice %arg2[%dma_start3A_19, %dma_start3A_20] : memref<10000x128xf32, #tpu.memory_space<hbm>> -> memref<10000x128xf32, #tpu.memory_space<hbm>>
    tpu.enqueue_indirect_dma source(%dma_start3A_21 : memref<10000x128xf32, #tpu.memory_space<hbm>>) target(%arg12 : memref<125x128xf32, #tpu.memory_space<vmem>>) offsets(%dma_start3A_18 : memref<125xi32, #tpu.memory_space<vmem>>) semaphore(%arg15 : memref<!tpu.dma_semaphore, #tpu.memory_space<semaphore_mem>>)
    %scan3A = arith.constant 0 : i32
    %scan3A_22 = arith.constant 0 : i32
    %scan3A_23 = arith.constant 20 : i32
    %scan3A_24 = arith.addi %scan3A_22, %scan3A_23 : i32
    %scan3A_25 = arith.constant 1 : i32
    scf.for %scan3A_59 = %scan3A_22 to %scan3A_24 step %scan3A_25  : i32 {
      %mul3A_60 = arith.constant 2 : i32
      %mul3A_61 = arith.muli %mul3A_60, %scan3A_59 : i32
      %dma_wait3A = arith.constant 0 : i32
      %dma_wait3A_62 = tpu.memref_slice %arg9[%mul3A_61, %dma_wait3A] : memref<40x125xi32, #tpu.memory_space<vmem>> -> memref<1x125xi32, #tpu.memory_space<vmem>>
      %dma_wait3A_63 = tpu.memref_squeeze %dma_wait3A_62 : memref<1x125xi32, #tpu.memory_space<vmem>> -> memref<125xi32, #tpu.memory_space<vmem>>
      %dma_wait3A_64 = arith.constant 0 : i32
      %dma_wait3A_65 = arith.constant 0 : i32
      %dma_wait3A_66 = tpu.memref_slice %arg2[%dma_wait3A_64, %dma_wait3A_65] : memref<10000x128xf32, #tpu.memory_space<hbm>> -> memref<10000x128xf32, #tpu.memory_space<hbm>>
      tpu.wait_indirect_dma semaphore(%arg14 : memref<!tpu.dma_semaphore, #tpu.memory_space<semaphore_mem>>) src(%dma_wait3A_66 : memref<10000x128xf32, #tpu.memory_space<hbm>>) dst(%arg11 : memref<125x128xf32, #tpu.memory_space<vmem>>)
      "tpu.region"() ({
        %run_scoped3A = tpu.sem_alloc : memref<!tpu.dma_semaphore, #tpu.memory_space<semaphore_mem>>
        %dma_start3A_88 = arith.constant 0 : i32
        %dma_start3A_89 = tpu.memref_slice %arg10[%mul3A_61, %dma_start3A_88] : memref<40x125xi32, #tpu.memory_space<vmem>> -> memref<1x125xi32, #tpu.memory_space<vmem>>
        %dma_start3A_90 = tpu.memref_squeeze %dma_start3A_89 : memref<1x125xi32, #tpu.memory_space<vmem>> -> memref<125xi32, #tpu.memory_space<vmem>>
        %dma_start3A_91 = arith.constant 0 : i32
        %dma_start3A_92 = arith.constant 0 : i32
        %dma_start3A_93 = tpu.memref_slice %arg13[%dma_start3A_91, %dma_start3A_92] : memref<10112x128xf32, #tpu.memory_space<vmem_shared>> -> memref<10112x128xf32, #tpu.memory_space<vmem_shared>>
        tpu.enqueue_indirect_dma source(%arg11 : memref<125x128xf32, #tpu.memory_space<vmem>>) target(%dma_start3A_93 : memref<10112x128xf32, #tpu.memory_space<vmem_shared>>) offsets(%dma_start3A_90 : memref<125xi32, #tpu.memory_space<vmem>>) semaphore(%run_scoped3A : memref<!tpu.dma_semaphore, #tpu.memory_space<semaphore_mem>>) {add = true}
        %dma_wait3A_94 = arith.constant 0 : i32
        %dma_wait3A_95 = tpu.memref_slice %arg10[%mul3A_61, %dma_wait3A_94] : memref<40x125xi32, #tpu.memory_space<vmem>> -> memref<1x125xi32, #tpu.memory_space<vmem>>
        %dma_wait3A_96 = tpu.memref_squeeze %dma_wait3A_95 : memref<1x125xi32, #tpu.memory_space<vmem>> -> memref<125xi32, #tpu.memory_space<vmem>>
        %dma_wait3A_97 = arith.constant 0 : i32
        %dma_wait3A_98 = arith.constant 0 : i32
        %dma_wait3A_99 = tpu.memref_slice %arg13[%dma_wait3A_97, %dma_wait3A_98] : memref<10112x128xf32, #tpu.memory_space<vmem_shared>> -> memref<10112x128xf32, #tpu.memory_space<vmem_shared>>
        tpu.wait_indirect_dma semaphore(%run_scoped3A : memref<!tpu.dma_semaphore, #tpu.memory_space<semaphore_mem>>) src(%arg11 : memref<125x128xf32, #tpu.memory_space<vmem>>) dst(%dma_wait3A_99 : memref<10112x128xf32, #tpu.memory_space<vmem_shared>>)
        tpu.yield
      }) : () -> ()
      %add3A_67 = arith.constant 1 : i32
      %add3A_68 = arith.addi %scan3A_59, %add3A_67 : i32
      %lt3A = arith.constant 20 : i32
      %lt3A_69 = arith.cmpi slt, %add3A_68, %lt3A : i32
      %convert_element_type3A = arith.extui %lt3A_69 : i1 to i32
      %cond3A = arith.constant 0 : i32
      %cond3A_70 = arith.cmpi ne, %convert_element_type3A, %cond3A : i32
      scf.if %cond3A_70 {
        %add3A_88 = arith.constant 2 : i32
        %add3A_89 = arith.addi %mul3A_61, %add3A_88 : i32
        %dma_start3A_90 = arith.constant 0 : i32
        %dma_start3A_91 = tpu.memref_slice %arg9[%add3A_89, %dma_start3A_90] : memref<40x125xi32, #tpu.memory_space<vmem>> -> memref<1x125xi32, #tpu.memory_space<vmem>>
        %dma_start3A_92 = tpu.memref_squeeze %dma_start3A_91 : memref<1x125xi32, #tpu.memory_space<vmem>> -> memref<125xi32, #tpu.memory_space<vmem>>
        %dma_start3A_93 = arith.constant 0 : i32
        %dma_start3A_94 = arith.constant 0 : i32
        %dma_start3A_95 = tpu.memref_slice %arg2[%dma_start3A_93, %dma_start3A_94] : memref<10000x128xf32, #tpu.memory_space<hbm>> -> memref<10000x128xf32, #tpu.memory_space<hbm>>
        tpu.enqueue_indirect_dma source(%dma_start3A_95 : memref<10000x128xf32, #tpu.memory_space<hbm>>) target(%arg11 : memref<125x128xf32, #tpu.memory_space<vmem>>) offsets(%dma_start3A_92 : memref<125xi32, #tpu.memory_space<vmem>>) semaphore(%arg14 : memref<!tpu.dma_semaphore, #tpu.memory_space<semaphore_mem>>)
      } else {
      }
      %add3A_71 = arith.constant 1 : i32
      %add3A_72 = arith.addi %mul3A_61, %add3A_71 : i32
      %dma_wait3A_73 = arith.constant 0 : i32
      %dma_wait3A_74 = tpu.memref_slice %arg9[%add3A_72, %dma_wait3A_73] : memref<40x125xi32, #tpu.memory_space<vmem>> -> memref<1x125xi32, #tpu.memory_space<vmem>>
      %dma_wait3A_75 = tpu.memref_squeeze %dma_wait3A_74 : memref<1x125xi32, #tpu.memory_space<vmem>> -> memref<125xi32, #tpu.memory_space<vmem>>
      %dma_wait3A_76 = arith.constant 0 : i32
      %dma_wait3A_77 = arith.constant 0 : i32
      %dma_wait3A_78 = tpu.memref_slice %arg2[%dma_wait3A_76, %dma_wait3A_77] : memref<10000x128xf32, #tpu.memory_space<hbm>> -> memref<10000x128xf32, #tpu.memory_space<hbm>>
      tpu.wait_indirect_dma semaphore(%arg15 : memref<!tpu.dma_semaphore, #tpu.memory_space<semaphore_mem>>) src(%dma_wait3A_78 : memref<10000x128xf32, #tpu.memory_space<hbm>>) dst(%arg12 : memref<125x128xf32, #tpu.memory_space<vmem>>)
      %add3A_79 = arith.constant 1 : i32
      %add3A_80 = arith.addi %mul3A_61, %add3A_79 : i32
      "tpu.region"() ({
        %run_scoped3A = tpu.sem_alloc : memref<!tpu.dma_semaphore, #tpu.memory_space<semaphore_mem>>
        %dma_start3A_88 = arith.constant 0 : i32
        %dma_start3A_89 = tpu.memref_slice %arg10[%add3A_80, %dma_start3A_88] : memref<40x125xi32, #tpu.memory_space<vmem>> -> memref<1x125xi32, #tpu.memory_space<vmem>>
        %dma_start3A_90 = tpu.memref_squeeze %dma_start3A_89 : memref<1x125xi32, #tpu.memory_space<vmem>> -> memref<125xi32, #tpu.memory_space<vmem>>
        %dma_start3A_91 = arith.constant 0 : i32
        %dma_start3A_92 = arith.constant 0 : i32
        %dma_start3A_93 = tpu.memref_slice %arg13[%dma_start3A_91, %dma_start3A_92] : memref<10112x128xf32, #tpu.memory_space<vmem_shared>> -> memref<10112x128xf32, #tpu.memory_space<vmem_shared>>
        tpu.enqueue_indirect_dma source(%arg12 : memref<125x128xf32, #tpu.memory_space<vmem>>) target(%dma_start3A_93 : memref<10112x128xf32, #tpu.memory_space<vmem_shared>>) offsets(%dma_start3A_90 : memref<125xi32, #tpu.memory_space<vmem>>) semaphore(%run_scoped3A : memref<!tpu.dma_semaphore, #tpu.memory_space<semaphore_mem>>) {add = true}
        %dma_wait3A_94 = arith.constant 0 : i32
        %dma_wait3A_95 = tpu.memref_slice %arg10[%add3A_80, %dma_wait3A_94] : memref<40x125xi32, #tpu.memory_space<vmem>> -> memref<1x125xi32, #tpu.memory_space<vmem>>
        %dma_wait3A_96 = tpu.memref_squeeze %dma_wait3A_95 : memref<1x125xi32, #tpu.memory_space<vmem>> -> memref<125xi32, #tpu.memory_space<vmem>>
        %dma_wait3A_97 = arith.constant 0 : i32
        %dma_wait3A_98 = arith.constant 0 : i32
        %dma_wait3A_99 = tpu.memref_slice %arg13[%dma_wait3A_97, %dma_wait3A_98] : memref<10112x128xf32, #tpu.memory_space<vmem_shared>> -> memref<10112x128xf32, #tpu.memory_space<vmem_shared>>
        tpu.wait_indirect_dma semaphore(%run_scoped3A : memref<!tpu.dma_semaphore, #tpu.memory_space<semaphore_mem>>) src(%arg12 : memref<125x128xf32, #tpu.memory_space<vmem>>) dst(%dma_wait3A_99 : memref<10112x128xf32, #tpu.memory_space<vmem_shared>>)
        tpu.yield
      }) : () -> ()
      %add3A_81 = arith.constant 1 : i32
      %add3A_82 = arith.addi %scan3A_59, %add3A_81 : i32
      %lt3A_83 = arith.constant 20 : i32
      %lt3A_84 = arith.cmpi slt, %add3A_82, %lt3A_83 : i32
      %convert_element_type3A_85 = arith.extui %lt3A_84 : i1 to i32
      %cond3A_86 = arith.constant 0 : i32
      %cond3A_87 = arith.cmpi ne, %convert_element_type3A_85, %cond3A_86 : i32
      scf.if %cond3A_87 {
        %add3A_88 = arith.constant 3 : i32
        %add3A_89 = arith.addi %mul3A_61, %add3A_88 : i32
        %dma_start3A_90 = arith.constant 0 : i32
        %dma_start3A_91 = tpu.memref_slice %arg9[%add3A_89, %dma_start3A_90] : memref<40x125xi32, #tpu.memory_space<vmem>> -> memref<1x125xi32, #tpu.memory_space<vmem>>
        %dma_start3A_92 = tpu.memref_squeeze %dma_start3A_91 : memref<1x125xi32, #tpu.memory_space<vmem>> -> memref<125xi32, #tpu.memory_space<vmem>>
        %dma_start3A_93 = arith.constant 0 : i32
        %dma_start3A_94 = arith.constant 0 : i32
        %dma_start3A_95 = tpu.memref_slice %arg2[%dma_start3A_93, %dma_start3A_94] : memref<10000x128xf32, #tpu.memory_space<hbm>> -> memref<10000x128xf32, #tpu.memory_space<hbm>>
        tpu.enqueue_indirect_dma source(%dma_start3A_95 : memref<10000x128xf32, #tpu.memory_space<hbm>>) target(%arg12 : memref<125x128xf32, #tpu.memory_space<vmem>>) offsets(%dma_start3A_92 : memref<125xi32, #tpu.memory_space<vmem>>) semaphore(%arg15 : memref<!tpu.dma_semaphore, #tpu.memory_space<semaphore_mem>>)
      } else {
      }
    }
    %scan3A_26 = arith.constant 20 : i32
    %mul3A_27 = arith.constant 80 : i32
    %mul3A_28 = arith.muli %add3A, %mul3A_27 : i32
    %add3A_29 = arith.constant 40 : i32
    %add3A_30 = arith.addi %mul3A_28, %add3A_29 : i32
    "tpu.region"() ({
      %run_scoped3A = tpu.sem_alloc : memref<!tpu.dma_semaphore, #tpu.memory_space<semaphore_mem>>
      %dma_start3A_59 = arith.constant 0 : i32
      %dma_start3A_60 = tpu.memref_slice %arg3[%add3A_30, %dma_start3A_59] : memref<2560x125xi32, #tpu.memory_space<hbm>> -> memref<40x125xi32, #tpu.memory_space<hbm>>
      %dma_start3A_61 = arith.constant 0 : i32
      %dma_start3A_62 = tpu.memref_slice %arg3[%add3A_30, %dma_start3A_61] : memref<2560x125xi32, #tpu.memory_space<hbm>> -> memref<40x125xi32, #tpu.memory_space<hbm>>
      tpu.enqueue_dma source(%dma_start3A_62 : memref<40x125xi32, #tpu.memory_space<hbm>>) target(%arg9 : memref<40x125xi32, #tpu.memory_space<vmem>>) target_semaphore(%run_scoped3A : memref<!tpu.dma_semaphore, #tpu.memory_space<semaphore_mem>>)
      %dma_wait3A = arith.constant 0 : i32
      %dma_wait3A_63 = tpu.memref_slice %arg3[%add3A_30, %dma_wait3A] : memref<2560x125xi32, #tpu.memory_space<hbm>> -> memref<40x125xi32, #tpu.memory_space<hbm>>
      %dma_wait3A_64 = arith.constant 0 : i32
      %dma_wait3A_65 = tpu.memref_slice %arg3[%add3A_30, %dma_wait3A_64] : memref<2560x125xi32, #tpu.memory_space<hbm>> -> memref<40x125xi32, #tpu.memory_space<hbm>>
      tpu.wait_dma2 semaphore(%run_scoped3A : memref<!tpu.dma_semaphore, #tpu.memory_space<semaphore_mem>>) src(%dma_wait3A_65 : memref<40x125xi32, #tpu.memory_space<hbm>>) dst(%arg9 : memref<40x125xi32, #tpu.memory_space<vmem>>)
      tpu.yield
    }) : () -> ()
    "tpu.region"() ({
      %run_scoped3A = tpu.sem_alloc : memref<!tpu.dma_semaphore, #tpu.memory_space<semaphore_mem>>
      %dma_start3A_59 = arith.constant 0 : i32
      %dma_start3A_60 = tpu.memref_slice %arg4[%add3A_30, %dma_start3A_59] : memref<2560x125xi32, #tpu.memory_space<hbm>> -> memref<40x125xi32, #tpu.memory_space<hbm>>
      %dma_start3A_61 = arith.constant 0 : i32
      %dma_start3A_62 = tpu.memref_slice %arg4[%add3A_30, %dma_start3A_61] : memref<2560x125xi32, #tpu.memory_space<hbm>> -> memref<40x125xi32, #tpu.memory_space<hbm>>
      tpu.enqueue_dma source(%dma_start3A_62 : memref<40x125xi32, #tpu.memory_space<hbm>>) target(%arg10 : memref<40x125xi32, #tpu.memory_space<vmem>>) target_semaphore(%run_scoped3A : memref<!tpu.dma_semaphore, #tpu.memory_space<semaphore_mem>>)
      %dma_wait3A = arith.constant 0 : i32
      %dma_wait3A_63 = tpu.memref_slice %arg4[%add3A_30, %dma_wait3A] : memref<2560x125xi32, #tpu.memory_space<hbm>> -> memref<40x125xi32, #tpu.memory_space<hbm>>
      %dma_wait3A_64 = arith.constant 0 : i32
      %dma_wait3A_65 = tpu.memref_slice %arg4[%add3A_30, %dma_wait3A_64] : memref<2560x125xi32, #tpu.memory_space<hbm>> -> memref<40x125xi32, #tpu.memory_space<hbm>>
      tpu.wait_dma2 semaphore(%run_scoped3A : memref<!tpu.dma_semaphore, #tpu.memory_space<semaphore_mem>>) src(%dma_wait3A_65 : memref<40x125xi32, #tpu.memory_space<hbm>>) dst(%arg10 : memref<40x125xi32, #tpu.memory_space<vmem>>)
      tpu.yield
    }) : () -> ()
    %dma_start3A_31 = arith.constant 0 : i32
    %dma_start3A_32 = arith.constant 0 : i32
    %dma_start3A_33 = tpu.memref_slice %arg9[%dma_start3A_31, %dma_start3A_32] : memref<40x125xi32, #tpu.memory_space<vmem>> -> memref<1x125xi32, #tpu.memory_space<vmem>>
    %dma_start3A_34 = tpu.memref_squeeze %dma_start3A_33 : memref<1x125xi32, #tpu.memory_space<vmem>> -> memref<125xi32, #tpu.memory_space<vmem>>
    %dma_start3A_35 = arith.constant 0 : i32
    %dma_start3A_36 = arith.constant 0 : i32
    %dma_start3A_37 = tpu.memref_slice %arg2[%dma_start3A_35, %dma_start3A_36] : memref<10000x128xf32, #tpu.memory_space<hbm>> -> memref<10000x128xf32, #tpu.memory_space<hbm>>
    tpu.enqueue_indirect_dma source(%dma_start3A_37 : memref<10000x128xf32, #tpu.memory_space<hbm>>) target(%arg11 : memref<125x128xf32, #tpu.memory_space<vmem>>) offsets(%dma_start3A_34 : memref<125xi32, #tpu.memory_space<vmem>>) semaphore(%arg14 : memref<!tpu.dma_semaphore, #tpu.memory_space<semaphore_mem>>)
    %dma_start3A_38 = arith.constant 1 : i32
    %dma_start3A_39 = arith.constant 0 : i32
    %dma_start3A_40 = tpu.memref_slice %arg9[%dma_start3A_38, %dma_start3A_39] : memref<40x125xi32, #tpu.memory_space<vmem>> -> memref<1x125xi32, #tpu.memory_space<vmem>>
    %dma_start3A_41 = tpu.memref_squeeze %dma_start3A_40 : memref<1x125xi32, #tpu.memory_space<vmem>> -> memref<125xi32, #tpu.memory_space<vmem>>
    %dma_start3A_42 = arith.constant 0 : i32
    %dma_start3A_43 = arith.constant 0 : i32
    %dma_start3A_44 = tpu.memref_slice %arg2[%dma_start3A_42, %dma_start3A_43] : memref<10000x128xf32, #tpu.memory_space<hbm>> -> memref<10000x128xf32, #tpu.memory_space<hbm>>
    tpu.enqueue_indirect_dma source(%dma_start3A_44 : memref<10000x128xf32, #tpu.memory_space<hbm>>) target(%arg12 : memref<125x128xf32, #tpu.memory_space<vmem>>) offsets(%dma_start3A_41 : memref<125xi32, #tpu.memory_space<vmem>>) semaphore(%arg15 : memref<!tpu.dma_semaphore, #tpu.memory_space<semaphore_mem>>)
    %scan3A_45 = arith.constant 0 : i32
    %scan3A_46 = arith.constant 0 : i32
    %scan3A_47 = arith.constant 20 : i32
    %scan3A_48 = arith.addi %scan3A_46, %scan3A_47 : i32
    %scan3A_49 = arith.constant 1 : i32
    scf.for %scan3A_59 = %scan3A_46 to %scan3A_48 step %scan3A_49  : i32 {
      %mul3A_60 = arith.constant 2 : i32
      %mul3A_61 = arith.muli %mul3A_60, %scan3A_59 : i32
      %dma_wait3A = arith.constant 0 : i32
      %dma_wait3A_62 = tpu.memref_slice %arg9[%mul3A_61, %dma_wait3A] : memref<40x125xi32, #tpu.memory_space<vmem>> -> memref<1x125xi32, #tpu.memory_space<vmem>>
      %dma_wait3A_63 = tpu.memref_squeeze %dma_wait3A_62 : memref<1x125xi32, #tpu.memory_space<vmem>> -> memref<125xi32, #tpu.memory_space<vmem>>
      %dma_wait3A_64 = arith.constant 0 : i32
      %dma_wait3A_65 = arith.constant 0 : i32
      %dma_wait3A_66 = tpu.memref_slice %arg2[%dma_wait3A_64, %dma_wait3A_65] : memref<10000x128xf32, #tpu.memory_space<hbm>> -> memref<10000x128xf32, #tpu.memory_space<hbm>>
      tpu.wait_indirect_dma semaphore(%arg14 : memref<!tpu.dma_semaphore, #tpu.memory_space<semaphore_mem>>) src(%dma_wait3A_66 : memref<10000x128xf32, #tpu.memory_space<hbm>>) dst(%arg11 : memref<125x128xf32, #tpu.memory_space<vmem>>)
      "tpu.region"() ({
        %run_scoped3A = tpu.sem_alloc : memref<!tpu.dma_semaphore, #tpu.memory_space<semaphore_mem>>
        %dma_start3A_88 = arith.constant 0 : i32
        %dma_start3A_89 = tpu.memref_slice %arg10[%mul3A_61, %dma_start3A_88] : memref<40x125xi32, #tpu.memory_space<vmem>> -> memref<1x125xi32, #tpu.memory_space<vmem>>
        %dma_start3A_90 = tpu.memref_squeeze %dma_start3A_89 : memref<1x125xi32, #tpu.memory_space<vmem>> -> memref<125xi32, #tpu.memory_space<vmem>>
        %dma_start3A_91 = arith.constant 0 : i32
        %dma_start3A_92 = arith.constant 0 : i32
        %dma_start3A_93 = tpu.memref_slice %arg13[%dma_start3A_91, %dma_start3A_92] : memref<10112x128xf32, #tpu.memory_space<vmem_shared>> -> memref<10112x128xf32, #tpu.memory_space<vmem_shared>>
        tpu.enqueue_indirect_dma source(%arg11 : memref<125x128xf32, #tpu.memory_space<vmem>>) target(%dma_start3A_93 : memref<10112x128xf32, #tpu.memory_space<vmem_shared>>) offsets(%dma_start3A_90 : memref<125xi32, #tpu.memory_space<vmem>>) semaphore(%run_scoped3A : memref<!tpu.dma_semaphore, #tpu.memory_space<semaphore_mem>>) {add = true}
        %dma_wait3A_94 = arith.constant 0 : i32
        %dma_wait3A_95 = tpu.memref_slice %arg10[%mul3A_61, %dma_wait3A_94] : memref<40x125xi32, #tpu.memory_space<vmem>> -> memref<1x125xi32, #tpu.memory_space<vmem>>
        %dma_wait3A_96 = tpu.memref_squeeze %dma_wait3A_95 : memref<1x125xi32, #tpu.memory_space<vmem>> -> memref<125xi32, #tpu.memory_space<vmem>>
        %dma_wait3A_97 = arith.constant 0 : i32
        %dma_wait3A_98 = arith.constant 0 : i32
        %dma_wait3A_99 = tpu.memref_slice %arg13[%dma_wait3A_97, %dma_wait3A_98] : memref<10112x128xf32, #tpu.memory_space<vmem_shared>> -> memref<10112x128xf32, #tpu.memory_space<vmem_shared>>
        tpu.wait_indirect_dma semaphore(%run_scoped3A : memref<!tpu.dma_semaphore, #tpu.memory_space<semaphore_mem>>) src(%arg11 : memref<125x128xf32, #tpu.memory_space<vmem>>) dst(%dma_wait3A_99 : memref<10112x128xf32, #tpu.memory_space<vmem_shared>>)
        tpu.yield
      }) : () -> ()
      %add3A_67 = arith.constant 1 : i32
      %add3A_68 = arith.addi %scan3A_59, %add3A_67 : i32
      %lt3A = arith.constant 20 : i32
      %lt3A_69 = arith.cmpi slt, %add3A_68, %lt3A : i32
      %convert_element_type3A = arith.extui %lt3A_69 : i1 to i32
      %cond3A = arith.constant 0 : i32
      %cond3A_70 = arith.cmpi ne, %convert_element_type3A, %cond3A : i32
      scf.if %cond3A_70 {
        %add3A_88 = arith.constant 2 : i32
        %add3A_89 = arith.addi %mul3A_61, %add3A_88 : i32
        %dma_start3A_90 = arith.constant 0 : i32
        %dma_start3A_91 = tpu.memref_slice %arg9[%add3A_89, %dma_start3A_90] : memref<40x125xi32, #tpu.memory_space<vmem>> -> memref<1x125xi32, #tpu.memory_space<vmem>>
        %dma_start3A_92 = tpu.memref_squeeze %dma_start3A_91 : memref<1x125xi32, #tpu.memory_space<vmem>> -> memref<125xi32, #tpu.memory_space<vmem>>
        %dma_start3A_93 = arith.constant 0 : i32
        %dma_start3A_94 = arith.constant 0 : i32
        %dma_start3A_95 = tpu.memref_slice %arg2[%dma_start3A_93, %dma_start3A_94] : memref<10000x128xf32, #tpu.memory_space<hbm>> -> memref<10000x128xf32, #tpu.memory_space<hbm>>
        tpu.enqueue_indirect_dma source(%dma_start3A_95 : memref<10000x128xf32, #tpu.memory_space<hbm>>) target(%arg11 : memref<125x128xf32, #tpu.memory_space<vmem>>) offsets(%dma_start3A_92 : memref<125xi32, #tpu.memory_space<vmem>>) semaphore(%arg14 : memref<!tpu.dma_semaphore, #tpu.memory_space<semaphore_mem>>)
      } else {
      }
      %add3A_71 = arith.constant 1 : i32
      %add3A_72 = arith.addi %mul3A_61, %add3A_71 : i32
      %dma_wait3A_73 = arith.constant 0 : i32
      %dma_wait3A_74 = tpu.memref_slice %arg9[%add3A_72, %dma_wait3A_73] : memref<40x125xi32, #tpu.memory_space<vmem>> -> memref<1x125xi32, #tpu.memory_space<vmem>>
      %dma_wait3A_75 = tpu.memref_squeeze %dma_wait3A_74 : memref<1x125xi32, #tpu.memory_space<vmem>> -> memref<125xi32, #tpu.memory_space<vmem>>
      %dma_wait3A_76 = arith.constant 0 : i32
      %dma_wait3A_77 = arith.constant 0 : i32
      %dma_wait3A_78 = tpu.memref_slice %arg2[%dma_wait3A_76, %dma_wait3A_77] : memref<10000x128xf32, #tpu.memory_space<hbm>> -> memref<10000x128xf32, #tpu.memory_space<hbm>>
      tpu.wait_indirect_dma semaphore(%arg15 : memref<!tpu.dma_semaphore, #tpu.memory_space<semaphore_mem>>) src(%dma_wait3A_78 : memref<10000x128xf32, #tpu.memory_space<hbm>>) dst(%arg12 : memref<125x128xf32, #tpu.memory_space<vmem>>)
      %add3A_79 = arith.constant 1 : i32
      %add3A_80 = arith.addi %mul3A_61, %add3A_79 : i32
      "tpu.region"() ({
        %run_scoped3A = tpu.sem_alloc : memref<!tpu.dma_semaphore, #tpu.memory_space<semaphore_mem>>
        %dma_start3A_88 = arith.constant 0 : i32
        %dma_start3A_89 = tpu.memref_slice %arg10[%add3A_80, %dma_start3A_88] : memref<40x125xi32, #tpu.memory_space<vmem>> -> memref<1x125xi32, #tpu.memory_space<vmem>>
        %dma_start3A_90 = tpu.memref_squeeze %dma_start3A_89 : memref<1x125xi32, #tpu.memory_space<vmem>> -> memref<125xi32, #tpu.memory_space<vmem>>
        %dma_start3A_91 = arith.constant 0 : i32
        %dma_start3A_92 = arith.constant 0 : i32
        %dma_start3A_93 = tpu.memref_slice %arg13[%dma_start3A_91, %dma_start3A_92] : memref<10112x128xf32, #tpu.memory_space<vmem_shared>> -> memref<10112x128xf32, #tpu.memory_space<vmem_shared>>
        tpu.enqueue_indirect_dma source(%arg12 : memref<125x128xf32, #tpu.memory_space<vmem>>) target(%dma_start3A_93 : memref<10112x128xf32, #tpu.memory_space<vmem_shared>>) offsets(%dma_start3A_90 : memref<125xi32, #tpu.memory_space<vmem>>) semaphore(%run_scoped3A : memref<!tpu.dma_semaphore, #tpu.memory_space<semaphore_mem>>) {add = true}
        %dma_wait3A_94 = arith.constant 0 : i32
        %dma_wait3A_95 = tpu.memref_slice %arg10[%add3A_80, %dma_wait3A_94] : memref<40x125xi32, #tpu.memory_space<vmem>> -> memref<1x125xi32, #tpu.memory_space<vmem>>
        %dma_wait3A_96 = tpu.memref_squeeze %dma_wait3A_95 : memref<1x125xi32, #tpu.memory_space<vmem>> -> memref<125xi32, #tpu.memory_space<vmem>>
        %dma_wait3A_97 = arith.constant 0 : i32
        %dma_wait3A_98 = arith.constant 0 : i32
        %dma_wait3A_99 = tpu.memref_slice %arg13[%dma_wait3A_97, %dma_wait3A_98] : memref<10112x128xf32, #tpu.memory_space<vmem_shared>> -> memref<10112x128xf32, #tpu.memory_space<vmem_shared>>
        tpu.wait_indirect_dma semaphore(%run_scoped3A : memref<!tpu.dma_semaphore, #tpu.memory_space<semaphore_mem>>) src(%arg12 : memref<125x128xf32, #tpu.memory_space<vmem>>) dst(%dma_wait3A_99 : memref<10112x128xf32, #tpu.memory_space<vmem_shared>>)
        tpu.yield
      }) : () -> ()
      %add3A_81 = arith.constant 1 : i32
      %add3A_82 = arith.addi %scan3A_59, %add3A_81 : i32
      %lt3A_83 = arith.constant 20 : i32
      %lt3A_84 = arith.cmpi slt, %add3A_82, %lt3A_83 : i32
      %convert_element_type3A_85 = arith.extui %lt3A_84 : i1 to i32
      %cond3A_86 = arith.constant 0 : i32
      %cond3A_87 = arith.cmpi ne, %convert_element_type3A_85, %cond3A_86 : i32
      scf.if %cond3A_87 {
        %add3A_88 = arith.constant 3 : i32
        %add3A_89 = arith.addi %mul3A_61, %add3A_88 : i32
        %dma_start3A_90 = arith.constant 0 : i32
        %dma_start3A_91 = tpu.memref_slice %arg9[%add3A_89, %dma_start3A_90] : memref<40x125xi32, #tpu.memory_space<vmem>> -> memref<1x125xi32, #tpu.memory_space<vmem>>
        %dma_start3A_92 = tpu.memref_squeeze %dma_start3A_91 : memref<1x125xi32, #tpu.memory_space<vmem>> -> memref<125xi32, #tpu.memory_space<vmem>>
        %dma_start3A_93 = arith.constant 0 : i32
        %dma_start3A_94 = arith.constant 0 : i32
        %dma_start3A_95 = tpu.memref_slice %arg2[%dma_start3A_93, %dma_start3A_94] : memref<10000x128xf32, #tpu.memory_space<hbm>> -> memref<10000x128xf32, #tpu.memory_space<hbm>>
        tpu.enqueue_indirect_dma source(%dma_start3A_95 : memref<10000x128xf32, #tpu.memory_space<hbm>>) target(%arg12 : memref<125x128xf32, #tpu.memory_space<vmem>>) offsets(%dma_start3A_92 : memref<125xi32, #tpu.memory_space<vmem>>) semaphore(%arg15 : memref<!tpu.dma_semaphore, #tpu.memory_space<semaphore_mem>>)
      } else {
      }
    }
    %scan3A_50 = arith.constant 20 : i32
    %barrier3A_51 = arith.constant 0 : index
    tpu.barrier barrier_id(%barrier3A_51)
    %mul3A_52 = arith.constant 632 : i32
    %mul3A_53 = arith.muli %arg1, %mul3A_52 : i32
    %mul3A_54 = arith.constant 11000 : i32
    %mul3A_55 = arith.muli %arg0, %mul3A_54 : i32
    %mul3A_56 = arith.constant 632 : i32
    %mul3A_57 = arith.muli %arg1, %mul3A_56 : i32
    %add3A_58 = arith.addi %mul3A_55, %mul3A_57 : i32
    "tpu.region"() ({
      %run_scoped3A = tpu.sem_alloc : memref<!tpu.dma_semaphore, #tpu.memory_space<semaphore_mem>>
      %dma_start3A_59 = arith.constant 0 : i32
      %dma_start3A_60 = tpu.memref_slice %arg8[%add3A_58, %dma_start3A_59] : memref<22000x128xf32, #tpu.memory_space<hbm>> -> memref<632x128xf32, #tpu.memory_space<hbm>>
      %dma_start3A_61 = arith.constant 0 : i32
      %dma_start3A_62 = tpu.memref_slice %arg13[%mul3A_53, %dma_start3A_61] : memref<10112x128xf32, #tpu.memory_space<vmem_shared>> -> memref<632x128xf32, #tpu.memory_space<vmem_shared>>
      tpu.enqueue_dma source(%dma_start3A_62 : memref<632x128xf32, #tpu.memory_space<vmem_shared>>) target(%dma_start3A_60 : memref<632x128xf32, #tpu.memory_space<hbm>>) target_semaphore(%run_scoped3A : memref<!tpu.dma_semaphore, #tpu.memory_space<semaphore_mem>>)
      %dma_wait3A = arith.constant 0 : i32
      %dma_wait3A_63 = tpu.memref_slice %arg8[%add3A_58, %dma_wait3A] : memref<22000x128xf32, #tpu.memory_space<hbm>> -> memref<632x128xf32, #tpu.memory_space<hbm>>
      %dma_wait3A_64 = arith.constant 0 : i32
      %dma_wait3A_65 = tpu.memref_slice %arg13[%mul3A_53, %dma_wait3A_64] : memref<10112x128xf32, #tpu.memory_space<vmem_shared>> -> memref<632x128xf32, #tpu.memory_space<vmem_shared>>
      tpu.wait_dma2 semaphore(%run_scoped3A : memref<!tpu.dma_semaphore, #tpu.memory_space<semaphore_mem>>) src(%dma_wait3A_65 : memref<632x128xf32, #tpu.memory_space<vmem_shared>>) dst(%dma_wait3A_63 : memref<632x128xf32, #tpu.memory_space<hbm>>)
      tpu.yield
    }) : () -> ()
    return
  }
}

module attributes {stable_mosaic.version = 14 : i64} {
  func.func @_proj_body(%arg0: i32, %arg1: memref<1000x128xf32, #tpu.memory_space<vmem>>, %arg2: memref<128x128xf32, #tpu.memory_space<vmem>>, %arg3: memref<1x128xf32, #tpu.memory_space<vmem>>, %arg4: memref<1000x128xf32, #tpu.memory_space<vmem>>) attributes {dimension_semantics = [#tpu.dimension_semantics<arbitrary>], iteration_bounds = array<i64: 10>, scalar_prefetch = 0 : i64, scratch_operands = 0 : i64, tpu.core_type = #tpu.core_type<tc>, window_params = [{transform_indices = @transform_0, window_bounds = array<i64: 1000, 128>}, {pipeline_mode = #tpu.pipeline_mode<synchronous>, transform_indices = @transform_1, window_bounds = array<i64: 128, 128>}, {pipeline_mode = #tpu.pipeline_mode<synchronous>, transform_indices = @transform_2, window_bounds = array<i64: 1, 128>}, {transform_indices = @transform_3, window_bounds = array<i64: 1000, 128>}]} {
    %get3A = arith.constant 0 : index
    %get3A_0 = arith.constant 0 : index
    %get3A_1 = vector.load %arg1[%get3A, %get3A_0] : memref<1000x128xf32, #tpu.memory_space<vmem>>, vector<1000x128xf32>
    %get3A_2 = arith.constant 0 : index
    %get3A_3 = arith.constant 0 : index
    %get3A_4 = vector.load %arg2[%get3A_2, %get3A_3] : memref<128x128xf32, #tpu.memory_space<vmem>>, vector<128x128xf32>
    %dot_general3A = arith.constant dense<0.000000e+00> : vector<1000x128xf32>
    %dot_general3A_5 = tpu.matmul %get3A_1, %get3A_4, %dot_general3A {dimension_numbers = #tpu.dot_dimension_numbers<[1], [0], [0], [1], [0, 0, 1, 1], [], []>, transpose_lhs_hint = false} : vector<1000x128xf32>, vector<128x128xf32>, vector<1000x128xf32> -> vector<1000x128xf32>
    %get3A_6 = arith.constant 0 : index
    %get3A_7 = arith.constant 0 : index
    %get3A_8 = vector.load %arg3[%get3A_6, %get3A_7] : memref<1x128xf32, #tpu.memory_space<vmem>>, vector<1x128xf32>
    %add3A = vector.broadcast %get3A_8 : vector<1x128xf32> to vector<1000x128xf32>
    %add3A_9 = arith.addf %dot_general3A_5, %add3A : vector<1000x128xf32>
    %max3A = arith.constant 0.000000e+00 : f32
    %max3A_10 = vector.broadcast %max3A : f32 to vector<1000x128xf32>
    %max3A_11 = arith.maximumf %add3A_9, %max3A_10 : vector<1000x128xf32>
    %swap3A = arith.constant 0 : index
    %swap3A_12 = arith.constant 0 : index
    %swap3A_13 = vector.load %arg4[%swap3A, %swap3A_12] : memref<1000x128xf32, #tpu.memory_space<vmem>>, vector<1000x128xf32>
    tpu.vector_store %arg4[%swap3A, %swap3A_12], %max3A_11 {strides = array<i32>} : memref<1000x128xf32, #tpu.memory_space<vmem>>, vector<1000x128xf32>,
    return
  }
  func.func @transform_0(%arg0: i32) -> (i32, i32) {
    %c0_i32 = arith.constant 0 : i32
    %c0_i32_0 = arith.constant 0 : i32
    return %arg0, %c0_i32 : i32, i32
  }
  func.func @transform_1(%arg0: i32) -> (i32, i32) {
    %c0_i32 = arith.constant 0 : i32
    %c0_i32_0 = arith.constant 0 : i32
    %c0_i32_1 = arith.constant 0 : i32
    return %c0_i32, %c0_i32_0 : i32, i32
  }
  func.func @transform_2(%arg0: i32) -> (i32, i32) {
    %c0_i32 = arith.constant 0 : i32
    %c0_i32_0 = arith.constant 0 : i32
    %c0_i32_1 = arith.constant 0 : i32
    return %c0_i32, %c0_i32_0 : i32, i32
  }
  func.func @transform_3(%arg0: i32) -> (i32, i32) {
    %c0_i32 = arith.constant 0 : i32
    %c0_i32_0 = arith.constant 0 : i32
    return %arg0, %c0_i32 : i32, i32
  }
}

module attributes {stable_mosaic.version = 14 : i64} {
  func.func @_fused_body(%arg0: i32, %arg1: memref<1000x128xf32, #tpu.memory_space<vmem>>, %arg2: memref<1000x128xf32, #tpu.memory_space<vmem>>, %arg3: memref<1000x1xf32, #tpu.memory_space<vmem>>, %arg4: memref<1000x1xf32, #tpu.memory_space<vmem>>, %arg5: memref<1000x128xf32, #tpu.memory_space<vmem>>, %arg6: memref<128x128xf32, #tpu.memory_space<vmem>>, %arg7: memref<1x128xf32, #tpu.memory_space<vmem>>, %arg8: memref<128x128xf32, #tpu.memory_space<vmem>>, %arg9: memref<1x128xf32, #tpu.memory_space<vmem>>, %arg10: memref<1x128xf32, #tpu.memory_space<vmem>>, %arg11: memref<128x128xf32, #tpu.memory_space<vmem>>, %arg12: memref<1x128xf32, #tpu.memory_space<vmem>>, %arg13: memref<1000x128xf32, #tpu.memory_space<vmem>>, %arg14: memref<1000x128xf32, #tpu.memory_space<vmem>>) attributes {dimension_semantics = [#tpu.dimension_semantics<arbitrary>], iteration_bounds = array<i64: 10>, scalar_prefetch = 0 : i64, scratch_operands = 0 : i64, tpu.core_type = #tpu.core_type<tc>, window_params = [{transform_indices = @transform_0, window_bounds = array<i64: 1000, 128>}, {transform_indices = @transform_1, window_bounds = array<i64: 1000, 128>}, {transform_indices = @transform_2, window_bounds = array<i64: 1000, 1>}, {transform_indices = @transform_3, window_bounds = array<i64: 1000, 1>}, {transform_indices = @transform_4, window_bounds = array<i64: 1000, 128>}, {pipeline_mode = #tpu.pipeline_mode<synchronous>, transform_indices = @transform_5, window_bounds = array<i64: 128, 128>}, {pipeline_mode = #tpu.pipeline_mode<synchronous>, transform_indices = @transform_6, window_bounds = array<i64: 1, 128>}, {pipeline_mode = #tpu.pipeline_mode<synchronous>, transform_indices = @transform_7, window_bounds = array<i64: 128, 128>}, {pipeline_mode = #tpu.pipeline_mode<synchronous>, transform_indices = @transform_8, window_bounds = array<i64: 1, 128>}, {pipeline_mode = #tpu.pipeline_mode<synchronous>, transform_indices = @transform_9, window_bounds = array<i64: 1, 128>}, {pipeline_mode = #tpu.pipeline_mode<synchronous>, transform_indices = @transform_10, window_bounds = array<i64: 128, 128>}, {pipeline_mode = #tpu.pipeline_mode<synchronous>, transform_indices = @transform_11, window_bounds = array<i64: 1, 128>}, {transform_indices = @transform_12, window_bounds = array<i64: 1000, 128>}, {transform_indices = @transform_13, window_bounds = array<i64: 1000, 128>}]} {
    %get3A = arith.constant 0 : index
    %get3A_0 = arith.constant 0 : index
    %get3A_1 = vector.load %arg1[%get3A, %get3A_0] : memref<1000x128xf32, #tpu.memory_space<vmem>>, vector<1000x128xf32>
    %get3A_2 = arith.constant 0 : index
    %get3A_3 = arith.constant 0 : index
    %get3A_4 = vector.load %arg2[%get3A_2, %get3A_3] : memref<1000x128xf32, #tpu.memory_space<vmem>>, vector<1000x128xf32>
    %get3A_5 = arith.constant 0 : index
    %get3A_6 = arith.constant 0 : index
    %get3A_7 = vector.load %arg3[%get3A_5, %get3A_6] : memref<1000x1xf32, #tpu.memory_space<vmem>>, vector<1000x1xf32>
    %get3A_8 = arith.constant 0 : index
    %get3A_9 = arith.constant 0 : index
    %get3A_10 = vector.load %arg4[%get3A_8, %get3A_9] : memref<1000x1xf32, #tpu.memory_space<vmem>>, vector<1000x1xf32>
    %get3A_11 = arith.constant 0 : index
    %get3A_12 = arith.constant 0 : index
    %get3A_13 = vector.load %arg5[%get3A_11, %get3A_12] : memref<1000x128xf32, #tpu.memory_space<vmem>>, vector<1000x128xf32>
    %get3A_14 = arith.constant 0 : index
    %get3A_15 = arith.constant 0 : index
    %get3A_16 = vector.load %arg6[%get3A_14, %get3A_15] : memref<128x128xf32, #tpu.memory_space<vmem>>, vector<128x128xf32>
    %get3A_17 = arith.constant 0 : index
    %get3A_18 = arith.constant 0 : index
    %get3A_19 = vector.load %arg7[%get3A_17, %get3A_18] : memref<1x128xf32, #tpu.memory_space<vmem>>, vector<1x128xf32>
    %get3A_20 = arith.constant 0 : index
    %get3A_21 = arith.constant 0 : index
    %get3A_22 = vector.load %arg8[%get3A_20, %get3A_21] : memref<128x128xf32, #tpu.memory_space<vmem>>, vector<128x128xf32>
    %get3A_23 = arith.constant 0 : index
    %get3A_24 = arith.constant 0 : index
    %get3A_25 = vector.load %arg9[%get3A_23, %get3A_24] : memref<1x128xf32, #tpu.memory_space<vmem>>, vector<1x128xf32>
    %get3A_26 = arith.constant 0 : index
    %get3A_27 = arith.constant 0 : index
    %get3A_28 = vector.load %arg10[%get3A_26, %get3A_27] : memref<1x128xf32, #tpu.memory_space<vmem>>, vector<1x128xf32>
    %add3A = arith.addf %get3A_7, %get3A_10 : vector<1000x1xf32>
    %max3A = arith.constant 1.000000e+00 : f32
    %max3A_29 = vector.broadcast %max3A : f32 to vector<1000x1xf32>
    %max3A_30 = arith.maximumf %add3A, %max3A_29 : vector<1000x1xf32>
    %add3A_31 = arith.addf %get3A_1, %get3A_4 : vector<1000x128xf32>
    %div3A = vector.broadcast %max3A_30 : vector<1000x1xf32> to vector<1000x128xf32>
    %div3A_32 = arith.divf %add3A_31, %div3A : vector<1000x128xf32>
    %dot_general3A = arith.constant dense<0.000000e+00> : vector<1000x128xf32>
    %dot_general3A_33 = tpu.matmul %div3A_32, %get3A_16, %dot_general3A {dimension_numbers = #tpu.dot_dimension_numbers<[1], [0], [0], [1], [0, 0, 1, 1], [], []>, transpose_lhs_hint = false} : vector<1000x128xf32>, vector<128x128xf32>, vector<1000x128xf32> -> vector<1000x128xf32>
    %add3A_34 = vector.broadcast %get3A_19 : vector<1x128xf32> to vector<1000x128xf32>
    %add3A_35 = arith.addf %dot_general3A_33, %add3A_34 : vector<1000x128xf32>
    %dot_general3A_36 = arith.constant dense<0.000000e+00> : vector<1000x128xf32>
    %dot_general3A_37 = tpu.matmul %get3A_13, %get3A_22, %dot_general3A_36 {dimension_numbers = #tpu.dot_dimension_numbers<[1], [0], [0], [1], [0, 0, 1, 1], [], []>, transpose_lhs_hint = false} : vector<1000x128xf32>, vector<128x128xf32>, vector<1000x128xf32> -> vector<1000x128xf32>
    %add3A_38 = arith.addf %add3A_35, %dot_general3A_37 : vector<1000x128xf32>
    %reduce_sum3A = arith.constant dense<0.000000e+00> : vector<1000xf32>
    %reduce_sum3A_39 = vector.multi_reduction <add>, %add3A_38, %reduce_sum3A [1] : vector<1000x128xf32> to vector<1000xf32>
    %broadcast_in_dim3A = vector.shape_cast %reduce_sum3A_39 : vector<1000xf32> to vector<1000x1xf32>
    %div3A_40 = arith.constant 1.280000e+02 : f32
    %div3A_41 = vector.broadcast %div3A_40 : f32 to vector<1000x1xf32>
    %div3A_42 = arith.divf %broadcast_in_dim3A, %div3A_41 : vector<1000x1xf32>
    %sub3A = vector.broadcast %div3A_42 : vector<1000x1xf32> to vector<1000x128xf32>
    %sub3A_43 = arith.subf %add3A_38, %sub3A : vector<1000x128xf32>
    %mul3A = arith.mulf %sub3A_43, %sub3A_43 : vector<1000x128xf32>
    %reduce_sum3A_44 = arith.constant dense<0.000000e+00> : vector<1000xf32>
    %reduce_sum3A_45 = vector.multi_reduction <add>, %mul3A, %reduce_sum3A_44 [1] : vector<1000x128xf32> to vector<1000xf32>
    %broadcast_in_dim3A_46 = vector.shape_cast %reduce_sum3A_45 : vector<1000xf32> to vector<1000x1xf32>
    %div3A_47 = arith.constant 1.280000e+02 : f32
    %div3A_48 = vector.broadcast %div3A_47 : f32 to vector<1000x1xf32>
    %div3A_49 = arith.divf %broadcast_in_dim3A_46, %div3A_48 : vector<1000x1xf32>
    %add3A_50 = arith.constant 9.99999974E-6 : f32
    %add3A_51 = vector.broadcast %add3A_50 : f32 to vector<1000x1xf32>
    %add3A_52 = arith.addf %div3A_49, %add3A_51 : vector<1000x1xf32>
    %rsqrt3A = math.rsqrt %add3A_52 : vector<1000x1xf32>
    %mul3A_53 = vector.broadcast %rsqrt3A : vector<1000x1xf32> to vector<1000x128xf32>
    %mul3A_54 = arith.mulf %sub3A_43, %mul3A_53 : vector<1000x128xf32>
    %mul3A_55 = vector.broadcast %get3A_25 : vector<1x128xf32> to vector<1000x128xf32>
    %mul3A_56 = arith.mulf %mul3A_54, %mul3A_55 : vector<1000x128xf32>
    %add3A_57 = vector.broadcast %get3A_28 : vector<1x128xf32> to vector<1000x128xf32>
    %add3A_58 = arith.addf %mul3A_56, %add3A_57 : vector<1000x128xf32>
    %swap3A = arith.constant 0 : index
    %swap3A_59 = arith.constant 0 : index
    %swap3A_60 = vector.load %arg13[%swap3A, %swap3A_59] : memref<1000x128xf32, #tpu.memory_space<vmem>>, vector<1000x128xf32>
    tpu.vector_store %arg13[%swap3A, %swap3A_59], %add3A_58 {strides = array<i32>} : memref<1000x128xf32, #tpu.memory_space<vmem>>, vector<1000x128xf32>,
    %get3A_61 = arith.constant 0 : index
    %get3A_62 = arith.constant 0 : index
    %get3A_63 = vector.load %arg11[%get3A_61, %get3A_62] : memref<128x128xf32, #tpu.memory_space<vmem>>, vector<128x128xf32>
    %dot_general3A_64 = arith.constant dense<0.000000e+00> : vector<1000x128xf32>
    %dot_general3A_65 = tpu.matmul %add3A_58, %get3A_63, %dot_general3A_64 {dimension_numbers = #tpu.dot_dimension_numbers<[1], [0], [0], [1], [0, 0, 1, 1], [], []>, transpose_lhs_hint = false} : vector<1000x128xf32>, vector<128x128xf32>, vector<1000x128xf32> -> vector<1000x128xf32>
    %get3A_66 = arith.constant 0 : index
    %get3A_67 = arith.constant 0 : index
    %get3A_68 = vector.load %arg12[%get3A_66, %get3A_67] : memref<1x128xf32, #tpu.memory_space<vmem>>, vector<1x128xf32>
    %add3A_69 = vector.broadcast %get3A_68 : vector<1x128xf32> to vector<1000x128xf32>
    %add3A_70 = arith.addf %dot_general3A_65, %add3A_69 : vector<1000x128xf32>
    %max3A_71 = arith.constant 0.000000e+00 : f32
    %max3A_72 = vector.broadcast %max3A_71 : f32 to vector<1000x128xf32>
    %max3A_73 = arith.maximumf %add3A_70, %max3A_72 : vector<1000x128xf32>
    %swap3A_74 = arith.constant 0 : index
    %swap3A_75 = arith.constant 0 : index
    %swap3A_76 = vector.load %arg14[%swap3A_74, %swap3A_75] : memref<1000x128xf32, #tpu.memory_space<vmem>>, vector<1000x128xf32>
    tpu.vector_store %arg14[%swap3A_74, %swap3A_75], %max3A_73 {strides = array<i32>} : memref<1000x128xf32, #tpu.memory_space<vmem>>, vector<1000x128xf32>,
    return
  }
  func.func @transform_0(%arg0: i32) -> (i32, i32) {
    %c0_i32 = arith.constant 0 : i32
    %c0_i32_0 = arith.constant 0 : i32
    return %arg0, %c0_i32 : i32, i32
  }
  func.func @transform_1(%arg0: i32) -> (i32, i32) {
    %add3A = arith.constant 11 : i32
    %add3A_0 = arith.addi %add3A, %arg0 : i32
    %c0_i32 = arith.constant 0 : i32
    %c0_i32_1 = arith.constant 0 : i32
    return %add3A_0, %c0_i32 : i32, i32
  }
  func.func @transform_2(%arg0: i32) -> (i32, i32) {
    %c0_i32 = arith.constant 0 : i32
    %c0_i32_0 = arith.constant 0 : i32
    return %arg0, %c0_i32 : i32, i32
  }
  func.func @transform_3(%arg0: i32) -> (i32, i32) {
    %add3A = arith.constant 11 : i32
    %add3A_0 = arith.addi %add3A, %arg0 : i32
    %c0_i32 = arith.constant 0 : i32
    %c0_i32_1 = arith.constant 0 : i32
    return %add3A_0, %c0_i32 : i32, i32
  }
  func.func @transform_4(%arg0: i32) -> (i32, i32) {
    %c0_i32 = arith.constant 0 : i32
    %c0_i32_0 = arith.constant 0 : i32
    return %arg0, %c0_i32 : i32, i32
  }
  func.func @transform_5(%arg0: i32) -> (i32, i32) {
    %c0_i32 = arith.constant 0 : i32
    %c0_i32_0 = arith.constant 0 : i32
    %c0_i32_1 = arith.constant 0 : i32
    return %c0_i32, %c0_i32_0 : i32, i32
  }
  func.func @transform_6(%arg0: i32) -> (i32, i32) {
    %c0_i32 = arith.constant 0 : i32
    %c0_i32_0 = arith.constant 0 : i32
    %c0_i32_1 = arith.constant 0 : i32
    return %c0_i32, %c0_i32_0 : i32, i32
  }
  func.func @transform_7(%arg0: i32) -> (i32, i32) {
    %c0_i32 = arith.constant 0 : i32
    %c0_i32_0 = arith.constant 0 : i32
    %c0_i32_1 = arith.constant 0 : i32
    return %c0_i32, %c0_i32_0 : i32, i32
  }
  func.func @transform_8(%arg0: i32) -> (i32, i32) {
    %c0_i32 = arith.constant 0 : i32
    %c0_i32_0 = arith.constant 0 : i32
    %c0_i32_1 = arith.constant 0 : i32
    return %c0_i32, %c0_i32_0 : i32, i32
  }
  func.func @transform_9(%arg0: i32) -> (i32, i32) {
    %c0_i32 = arith.constant 0 : i32
    %c0_i32_0 = arith.constant 0 : i32
    %c0_i32_1 = arith.constant 0 : i32
    return %c0_i32, %c0_i32_0 : i32, i32
  }
  func.func @transform_10(%arg0: i32) -> (i32, i32) {
    %c0_i32 = arith.constant 0 : i32
    %c0_i32_0 = arith.constant 0 : i32
    %c0_i32_1 = arith.constant 0 : i32
    return %c0_i32, %c0_i32_0 : i32, i32
  }
  func.func @transform_11(%arg0: i32) -> (i32, i32) {
    %c0_i32 = arith.constant 0 : i32
    %c0_i32_0 = arith.constant 0 : i32
    %c0_i32_1 = arith.constant 0 : i32
    return %c0_i32, %c0_i32_0 : i32, i32
  }
  func.func @transform_12(%arg0: i32) -> (i32, i32) {
    %c0_i32 = arith.constant 0 : i32
    %c0_i32_0 = arith.constant 0 : i32
    return %arg0, %c0_i32 : i32, i32
  }
  func.func @transform_13(%arg0: i32) -> (i32, i32) {
    %c0_i32 = arith.constant 0 : i32
    %c0_i32_0 = arith.constant 0 : i32
    return %arg0, %c0_i32 : i32, i32
  }
}

module attributes {stable_mosaic.version = 14 : i64} {
  func.func @_combine_body(%arg0: i32, %arg1: memref<1000x128xf32, #tpu.memory_space<vmem>>, %arg2: memref<1000x128xf32, #tpu.memory_space<vmem>>, %arg3: memref<1000x1xf32, #tpu.memory_space<vmem>>, %arg4: memref<1000x1xf32, #tpu.memory_space<vmem>>, %arg5: memref<1000x128xf32, #tpu.memory_space<vmem>>, %arg6: memref<128x128xf32, #tpu.memory_space<vmem>>, %arg7: memref<1x128xf32, #tpu.memory_space<vmem>>, %arg8: memref<128x128xf32, #tpu.memory_space<vmem>>, %arg9: memref<1x128xf32, #tpu.memory_space<vmem>>, %arg10: memref<1x128xf32, #tpu.memory_space<vmem>>, %arg11: memref<1000x128xf32, #tpu.memory_space<vmem>>) attributes {dimension_semantics = [#tpu.dimension_semantics<arbitrary>], iteration_bounds = array<i64: 10>, scalar_prefetch = 0 : i64, scratch_operands = 0 : i64, tpu.core_type = #tpu.core_type<tc>, window_params = [{transform_indices = @transform_0, window_bounds = array<i64: 1000, 128>}, {transform_indices = @transform_1, window_bounds = array<i64: 1000, 128>}, {transform_indices = @transform_2, window_bounds = array<i64: 1000, 1>}, {transform_indices = @transform_3, window_bounds = array<i64: 1000, 1>}, {transform_indices = @transform_4, window_bounds = array<i64: 1000, 128>}, {pipeline_mode = #tpu.pipeline_mode<synchronous>, transform_indices = @transform_5, window_bounds = array<i64: 128, 128>}, {pipeline_mode = #tpu.pipeline_mode<synchronous>, transform_indices = @transform_6, window_bounds = array<i64: 1, 128>}, {pipeline_mode = #tpu.pipeline_mode<synchronous>, transform_indices = @transform_7, window_bounds = array<i64: 128, 128>}, {pipeline_mode = #tpu.pipeline_mode<synchronous>, transform_indices = @transform_8, window_bounds = array<i64: 1, 128>}, {pipeline_mode = #tpu.pipeline_mode<synchronous>, transform_indices = @transform_9, window_bounds = array<i64: 1, 128>}, {transform_indices = @transform_10, window_bounds = array<i64: 1000, 128>}]} {
    %get3A = arith.constant 0 : index
    %get3A_0 = arith.constant 0 : index
    %get3A_1 = vector.load %arg1[%get3A, %get3A_0] : memref<1000x128xf32, #tpu.memory_space<vmem>>, vector<1000x128xf32>
    %get3A_2 = arith.constant 0 : index
    %get3A_3 = arith.constant 0 : index
    %get3A_4 = vector.load %arg2[%get3A_2, %get3A_3] : memref<1000x128xf32, #tpu.memory_space<vmem>>, vector<1000x128xf32>
    %get3A_5 = arith.constant 0 : index
    %get3A_6 = arith.constant 0 : index
    %get3A_7 = vector.load %arg3[%get3A_5, %get3A_6] : memref<1000x1xf32, #tpu.memory_space<vmem>>, vector<1000x1xf32>
    %get3A_8 = arith.constant 0 : index
    %get3A_9 = arith.constant 0 : index
    %get3A_10 = vector.load %arg4[%get3A_8, %get3A_9] : memref<1000x1xf32, #tpu.memory_space<vmem>>, vector<1000x1xf32>
    %get3A_11 = arith.constant 0 : index
    %get3A_12 = arith.constant 0 : index
    %get3A_13 = vector.load %arg5[%get3A_11, %get3A_12] : memref<1000x128xf32, #tpu.memory_space<vmem>>, vector<1000x128xf32>
    %get3A_14 = arith.constant 0 : index
    %get3A_15 = arith.constant 0 : index
    %get3A_16 = vector.load %arg6[%get3A_14, %get3A_15] : memref<128x128xf32, #tpu.memory_space<vmem>>, vector<128x128xf32>
    %get3A_17 = arith.constant 0 : index
    %get3A_18 = arith.constant 0 : index
    %get3A_19 = vector.load %arg7[%get3A_17, %get3A_18] : memref<1x128xf32, #tpu.memory_space<vmem>>, vector<1x128xf32>
    %get3A_20 = arith.constant 0 : index
    %get3A_21 = arith.constant 0 : index
    %get3A_22 = vector.load %arg8[%get3A_20, %get3A_21] : memref<128x128xf32, #tpu.memory_space<vmem>>, vector<128x128xf32>
    %get3A_23 = arith.constant 0 : index
    %get3A_24 = arith.constant 0 : index
    %get3A_25 = vector.load %arg9[%get3A_23, %get3A_24] : memref<1x128xf32, #tpu.memory_space<vmem>>, vector<1x128xf32>
    %get3A_26 = arith.constant 0 : index
    %get3A_27 = arith.constant 0 : index
    %get3A_28 = vector.load %arg10[%get3A_26, %get3A_27] : memref<1x128xf32, #tpu.memory_space<vmem>>, vector<1x128xf32>
    %add3A = arith.addf %get3A_7, %get3A_10 : vector<1000x1xf32>
    %max3A = arith.constant 1.000000e+00 : f32
    %max3A_29 = vector.broadcast %max3A : f32 to vector<1000x1xf32>
    %max3A_30 = arith.maximumf %add3A, %max3A_29 : vector<1000x1xf32>
    %add3A_31 = arith.addf %get3A_1, %get3A_4 : vector<1000x128xf32>
    %div3A = vector.broadcast %max3A_30 : vector<1000x1xf32> to vector<1000x128xf32>
    %div3A_32 = arith.divf %add3A_31, %div3A : vector<1000x128xf32>
    %dot_general3A = arith.constant dense<0.000000e+00> : vector<1000x128xf32>
    %dot_general3A_33 = tpu.matmul %div3A_32, %get3A_16, %dot_general3A {dimension_numbers = #tpu.dot_dimension_numbers<[1], [0], [0], [1], [0, 0, 1, 1], [], []>, transpose_lhs_hint = false} : vector<1000x128xf32>, vector<128x128xf32>, vector<1000x128xf32> -> vector<1000x128xf32>
    %add3A_34 = vector.broadcast %get3A_19 : vector<1x128xf32> to vector<1000x128xf32>
    %add3A_35 = arith.addf %dot_general3A_33, %add3A_34 : vector<1000x128xf32>
    %dot_general3A_36 = arith.constant dense<0.000000e+00> : vector<1000x128xf32>
    %dot_general3A_37 = tpu.matmul %get3A_13, %get3A_22, %dot_general3A_36 {dimension_numbers = #tpu.dot_dimension_numbers<[1], [0], [0], [1], [0, 0, 1, 1], [], []>, transpose_lhs_hint = false} : vector<1000x128xf32>, vector<128x128xf32>, vector<1000x128xf32> -> vector<1000x128xf32>
    %add3A_38 = arith.addf %add3A_35, %dot_general3A_37 : vector<1000x128xf32>
    %reduce_sum3A = arith.constant dense<0.000000e+00> : vector<1000xf32>
    %reduce_sum3A_39 = vector.multi_reduction <add>, %add3A_38, %reduce_sum3A [1] : vector<1000x128xf32> to vector<1000xf32>
    %broadcast_in_dim3A = vector.shape_cast %reduce_sum3A_39 : vector<1000xf32> to vector<1000x1xf32>
    %div3A_40 = arith.constant 1.280000e+02 : f32
    %div3A_41 = vector.broadcast %div3A_40 : f32 to vector<1000x1xf32>
    %div3A_42 = arith.divf %broadcast_in_dim3A, %div3A_41 : vector<1000x1xf32>
    %sub3A = vector.broadcast %div3A_42 : vector<1000x1xf32> to vector<1000x128xf32>
    %sub3A_43 = arith.subf %add3A_38, %sub3A : vector<1000x128xf32>
    %mul3A = arith.mulf %sub3A_43, %sub3A_43 : vector<1000x128xf32>
    %reduce_sum3A_44 = arith.constant dense<0.000000e+00> : vector<1000xf32>
    %reduce_sum3A_45 = vector.multi_reduction <add>, %mul3A, %reduce_sum3A_44 [1] : vector<1000x128xf32> to vector<1000xf32>
    %broadcast_in_dim3A_46 = vector.shape_cast %reduce_sum3A_45 : vector<1000xf32> to vector<1000x1xf32>
    %div3A_47 = arith.constant 1.280000e+02 : f32
    %div3A_48 = vector.broadcast %div3A_47 : f32 to vector<1000x1xf32>
    %div3A_49 = arith.divf %broadcast_in_dim3A_46, %div3A_48 : vector<1000x1xf32>
    %add3A_50 = arith.constant 9.99999974E-6 : f32
    %add3A_51 = vector.broadcast %add3A_50 : f32 to vector<1000x1xf32>
    %add3A_52 = arith.addf %div3A_49, %add3A_51 : vector<1000x1xf32>
    %rsqrt3A = math.rsqrt %add3A_52 : vector<1000x1xf32>
    %mul3A_53 = vector.broadcast %rsqrt3A : vector<1000x1xf32> to vector<1000x128xf32>
    %mul3A_54 = arith.mulf %sub3A_43, %mul3A_53 : vector<1000x128xf32>
    %mul3A_55 = vector.broadcast %get3A_25 : vector<1x128xf32> to vector<1000x128xf32>
    %mul3A_56 = arith.mulf %mul3A_54, %mul3A_55 : vector<1000x128xf32>
    %add3A_57 = vector.broadcast %get3A_28 : vector<1x128xf32> to vector<1000x128xf32>
    %add3A_58 = arith.addf %mul3A_56, %add3A_57 : vector<1000x128xf32>
    %swap3A = arith.constant 0 : index
    %swap3A_59 = arith.constant 0 : index
    %swap3A_60 = vector.load %arg11[%swap3A, %swap3A_59] : memref<1000x128xf32, #tpu.memory_space<vmem>>, vector<1000x128xf32>
    tpu.vector_store %arg11[%swap3A, %swap3A_59], %add3A_58 {strides = array<i32>} : memref<1000x128xf32, #tpu.memory_space<vmem>>, vector<1000x128xf32>,
    return
  }
  func.func @transform_0(%arg0: i32) -> (i32, i32) {
    %c0_i32 = arith.constant 0 : i32
    %c0_i32_0 = arith.constant 0 : i32
    return %arg0, %c0_i32 : i32, i32
  }
  func.func @transform_1(%arg0: i32) -> (i32, i32) {
    %add3A = arith.constant 11 : i32
    %add3A_0 = arith.addi %add3A, %arg0 : i32
    %c0_i32 = arith.constant 0 : i32
    %c0_i32_1 = arith.constant 0 : i32
    return %add3A_0, %c0_i32 : i32, i32
  }
  func.func @transform_2(%arg0: i32) -> (i32, i32) {
    %c0_i32 = arith.constant 0 : i32
    %c0_i32_0 = arith.constant 0 : i32
    return %arg0, %c0_i32 : i32, i32
  }
  func.func @transform_3(%arg0: i32) -> (i32, i32) {
    %add3A = arith.constant 11 : i32
    %add3A_0 = arith.addi %add3A, %arg0 : i32
    %c0_i32 = arith.constant 0 : i32
    %c0_i32_1 = arith.constant 0 : i32
    return %add3A_0, %c0_i32 : i32, i32
  }
  func.func @transform_4(%arg0: i32) -> (i32, i32) {
    %c0_i32 = arith.constant 0 : i32
    %c0_i32_0 = arith.constant 0 : i32
    return %arg0, %c0_i32 : i32, i32
  }
  func.func @transform_5(%arg0: i32) -> (i32, i32) {
    %c0_i32 = arith.constant 0 : i32
    %c0_i32_0 = arith.constant 0 : i32
    %c0_i32_1 = arith.constant 0 : i32
    return %c0_i32, %c0_i32_0 : i32, i32
  }
  func.func @transform_6(%arg0: i32) -> (i32, i32) {
    %c0_i32 = arith.constant 0 : i32
    %c0_i32_0 = arith.constant 0 : i32
    %c0_i32_1 = arith.constant 0 : i32
    return %c0_i32, %c0_i32_0 : i32, i32
  }
  func.func @transform_7(%arg0: i32) -> (i32, i32) {
    %c0_i32 = arith.constant 0 : i32
    %c0_i32_0 = arith.constant 0 : i32
    %c0_i32_1 = arith.constant 0 : i32
    return %c0_i32, %c0_i32_0 : i32, i32
  }
  func.func @transform_8(%arg0: i32) -> (i32, i32) {
    %c0_i32 = arith.constant 0 : i32
    %c0_i32_0 = arith.constant 0 : i32
    %c0_i32_1 = arith.constant 0 : i32
    return %c0_i32, %c0_i32_0 : i32, i32
  }
  func.func @transform_9(%arg0: i32) -> (i32, i32) {
    %c0_i32 = arith.constant 0 : i32
    %c0_i32_0 = arith.constant 0 : i32
    %c0_i32_1 = arith.constant 0 : i32
    return %c0_i32, %c0_i32_0 : i32, i32
  }
  func.func @transform_10(%arg0: i32) -> (i32, i32) {
    %c0_i32 = arith.constant 0 : i32
    %c0_i32_0 = arith.constant 0 : i32
    return %arg0, %c0_i32 : i32, i32
  }
}

</mosaic_0001>

<sc_bundles>
// kernel: kernel.10.cloned.1.call-start
scs
__scs_entry_jumppad:
0x0: {  	(pc) =	sbr.rel $0x88, $3  }
0x1: {  	(tag) =	ssettag $0x0;
	lr =	simm.s32 $0x1  }
0x2: {  	[smem:$0x3F91] =	sst lr;
	_ =	strace $0xD0000000  }
0x3: {  	_ = 	snop  }
0x4: {  	_ = 	snop  }
0x5: {  	_ = 	snop  }
0x6: {  	_ = 	snop  }
0x7: {  	_ = 	snop  }
__scs_overlays_trampoline_lowered:
0x8: {  	[smem:$0x3FA0] =	sst s0  }
0x9: {  	[smem:$0x3FA1] =	sst s1  }
0xa: {  	[smem:$0x3FA2] =	sst s2  }
0xb: {  	[smem:$0x3FA3] =	sst s3  }
0xc: {  	[smem:$0x3FA4] =	sst s4  }
0xd: {  	[smem:$0x3FA5] =	sst s5  }
0xe: {  	[smem:$0x3FA6] =	sst s6  }
0xf: {  	[smem:$0x3FA7] =	sst s7  }
0x10: {  	[smem:$0x3FA8] =	sst s8  }
0x11: {  	[smem:$0x3FA9] =	sst s9;
	s0 =	simm.s32 @!p0 $0x0  }
0x12: {  	s1 =	sld [smem:$0x3F8F];
	s0 =	simm.s32 @p0 $0x1  }
0x13: {  	[smem:$0x3FAA] =	sst s0;
	s0 =	simm.s32 @!p1 $0x0  }
0x14: {  	s2 =	sld [smem:$0x3F8E];
	s0 =	simm.s32 @p1 $0x1  }
0x15: {  	[smem:$0x3FAB] =	sst s0;
	s0 =	simm.s32 @!p2 $0x0  }
0x16: {  	s3 =	sld [smem:$0x3FDB];
	s0 =	simm.s32 @p2 $0x1  }
0x17: {  	s4 =	simm.s32 $0x1BF5;
	[smem:$0x3FAD] =	sst s0  }
0x18: {  	s0 =	sld [smem:$0x3F90];
	_ =	swait.ge [sflag:s4], $0x0  }
0x19: {  	s7 =	sld [smem:$0x3F91]  }
0x1a: {  	s8 =	sadd.s32 $0xFFFFE003, lr  }
0x1b: {  	s9 =	sadd.s32 $0xFFFFFEF7, lr;
	s5 =	simm.s32 $0xFFFFFFFF;
	p2 =	slt.u32 s8, $0xFFFFF086  }
0x1c: {  	p1 =	slt.u32 s9, $0xF7A;
	s5 =	simm.s32 @!p2 $0x0  }
0x1d: {  	s5 =	simm.s32 @p1 $0x1;
	p0 =	seq.s32 s7, s2  }
0x1e: {  	s7 =	smul.u32 @!p0 $0xF7A, s2;
	p2 =	seq.s32 @!p0 s5, $0x0  }
0x1f: {  	s9 =	smul.u32 $0xF7A, s1;
	s8 =	simm.s32 @!p0 $0x1BF5;
	p2 =	por !p2, p0  }
0x20: {  	[sflag:s8] =	ssyncset.s32 @!p0 $0xFFFFF086;
	s6 =	sadd.s32 @!p0 s3, s7;
	s7 =	simm.s32 @!p0 $0x108  }
0x21: {  	s3 =	sadd.s32 s3, s9;
	s6 =	sadd.s32 @!p0 $0x88, s6;
	s7 =	simm.s32 @p2 $0x1082  }
0x22: {  	[simem:s7], [sflag:s8] =	dma.local @!p0 [hbm:s6], $0xF7A  }
0x23: {  	s9 =	sor.u32 $0xD0000000, s2;
	s6 =	simm.s32 $0x108;
	_ =	swait.ge @!p0 [sflag:s8], $0x0  }
0x24: {  	s3 =	sadd.s32 $0x88, s3;
	s6 =	simm.s32 @!p1 $0x1082;
	[sflag:s4] =	ssyncset.s32 $0xFFFFF086  }
0x25: {  	[simem:s6], [sflag:s4] =	dma.local [hbm:s3], $0xF7A  }
0x26: {  	[smem:$0x3F91] =	sst s1;
	(tag) =	ssettag s2;
	_ =	strace s9  }
0x27: {  	s1 =	sld [smem:$0x3FA1]  }
0x28: {  	s2 =	sld [smem:$0x3FA2]  }
0x29: {  	s4 =	sld [smem:$0x3FA4]  }
0x2a: {  	p0 =	seq.s32 s5, $0x0;
	s5 =	sld [smem:$0x3FA5]  }
0x2b: {  	s6 =	sld [smem:$0x3FA6]  }
0x2c: {  	s7 =	sld [smem:$0x3FA7]  }
0x2d: {  	s3 =	simm.s32 $0x108;
	s8 =	sld [smem:$0x3FA8]  }
0x2e: {  	s3 =	simm.s32 @!p0 $0x1082;
	s9 =	sld [smem:$0x3FA9]  }
0x2f: {  	lr =	sadd.s32 s0, s3;
	s0 =	sld [smem:$0x3FA0]  }
0x30: {  	s3 =	sld [smem:$0x3FA3]  }
0x31: {  	[smem:$0x3FAC] =	sst s10  }
0x32: {  	s10 =	sld [smem:$0x3FAA];
	_ =	sdelay $0x3  }
0x33: {  	p0 =	seq.s32 s10, $0x1;
	s10 =	sld [smem:$0x3FAC];
	_ =	sdelay $0x3  }
0x34: {  	[smem:$0x3FAC] =	sst s10  }
0x35: {  	s10 =	sld [smem:$0x3FAB];
	_ =	sdelay $0x3  }
0x36: {  	p1 =	seq.s32 s10, $0x1;
	s10 =	sld [smem:$0x3FAC];
	_ =	sdelay $0x3  }
0x37: {  	[smem:$0x3FAC] =	sst s10  }
0x38: {  	s10 =	sld [smem:$0x3FAD]  }
0x39: {  	_ = 	snop;
	(pc) =	sbr.ind lr, $3  }
0x3a: {  	_ = 	snop  }
0x3b: {  	_ = 	snop  }
0x3c: {  	p2 =	seq.s32 s10, $0x1;
	s10 =	sld [smem:$0x3FAC]  }
0x3d: {  	_ =	shalt  }
0x3e: {  	_ =	shalt  }
0x3f: {  	_ =	shalt  }
0x40: {  	_ =	shalt  }
0x41: {  	_ =	shalt  }
0x42: {  	_ =	shalt  }
0x43: {  	_ =	shalt  }
0x44: {  	_ =	shalt  }
0x45: {  	_ =	shalt  }
0x46: {  	_ =	shalt  }
0x47: {  	_ =	shalt  }
0x48: {  	_ =	shalt  }
0x49: {  	_ =	shalt  }
0x4a: {  	_ =	shalt  }
0x4b: {  	_ =	shalt  }
0x4c: {  	_ =	shalt  }
0x4d: {  	_ =	shalt  }
0x4e: {  	_ =	shalt  }
0x4f: {  	_ =	shalt  }
0x50: {  	_ =	shalt  }
0x51: {  	_ =	shalt  }
0x52: {  	_ =	shalt  }
0x53: {  	_ =	shalt  }
0x54: {  	_ =	shalt  }
0x55: {  	_ =	shalt  }
0x56: {  	_ =	shalt  }
0x57: {  	_ =	shalt  }
0x58: {  	_ =	shalt  }
0x59: {  	_ =	shalt  }
0x5a: {  	_ =	shalt  }
0x5b: {  	_ =	shalt  }
0x5c: {  	_ =	shalt  }
0x5d: {  	_ =	shalt  }
0x5e: {  	_ =	shalt  }
0x5f: {  	_ =	shalt  }
0x60: {  	_ =	shalt  }
0x61: {  	_ =	shalt  }
0x62: {  	_ =	shalt  }
0x63: {  	_ =	shalt  }
0x64: {  	_ =	shalt  }
0x65: {  	_ =	shalt  }
0x66: {  	_ =	shalt  }
0x67: {  	_ =	shalt  }
0x68: {  	_ =	shalt  }
0x69: {  	_ =	shalt  }
0x6a: {  	_ =	shalt  }
0x6b: {  	_ =	shalt  }
0x6c: {  	_ =	shalt  }
0x6d: {  	_ =	shalt  }
0x6e: {  	_ =	shalt  }
0x6f: {  	_ =	shalt  }
0x70: {  	_ =	shalt  }
0x71: {  	_ =	shalt  }
0x72: {  	_ =	shalt  }
0x73: {  	_ =	shalt  }
0x74: {  	_ =	shalt  }
0x75: {  	_ =	shalt  }
0x76: {  	_ =	shalt  }
0x77: {  	_ =	shalt  }
0x78: {  	_ =	shalt  }
0x79: {  	_ =	shalt  }
0x7a: {  	_ =	shalt  }
0x7b: {  	_ =	shalt  }
0x7c: {  	_ =	shalt  }
0x7d: {  	_ =	shalt  }
0x7e: {  	_ =	shalt  }
0x7f: {  	_ =	shalt  }
0x80: {  	_ =	shalt  }
0x81: {  	_ =	shalt  }
0x82: {  	_ =	shalt  }
0x83: {  	_ =	shalt  }
0x84: {  	_ =	shalt  }
0x85: {  	_ =	shalt  }
0x86: {  	_ =	shalt  }
0x87: {  	_ =	shalt  }
.Lfunc_end0:
.L_simem_size_0:
called_computation.1_lowered:
.L_overlay_start_0:
0x88: {  	s2 =	sld [smem:$0x3FD9]  }
0x89: {  	s3 =	sld [smem:$0x3FFE];
	_ =	sdelay $0x1  }
0x8a: {  	s1 =	srdreg.scid  }
0x8b: {  	s0 =	sand.u32 $0x1, s1  }
0x8c: {  	s17 =	sshll.u32 s0, $0xA;
	s2 =	sadd.s32 s3, s2  }
0x8d: {  	s2 =	sadd.s32 s2, s17  }
0x8e: {  	[smem:$0x3FB8] =	sst s2  }
0x8f: {  	_ = 	snop  }
0x90: {  	s2 =	sld [smem:$0x3FD0];
	(tm) =	ssettm $0x1  }
0x91: {  	s18 =	sld [smem:$0x3FFB];
	_ =	sdelay $0x3  }
0x92: {  	_ =	strace s18  }
0x93: {  	s3 =	sld [smem:$0x3FFC];
	_ =	sdelay $0x3  }
0x94: {  	_ =	strace s3  }
0x95: {  	s3 =	sld [smem:$0x3FFD];
	_ =	sdelay $0x3  }
0x96: {  	_ =	strace s3  }
0x97: {  	_ =	strace $0x8FFFFFFF  }
0x98: {  	s19 =	sld [smem:$0x3FDB];
	_ =	sdelay $0x1  }
0x99: {  	s4 =	simm.s32 $_scs_section_size  }
0x9a: {  	s5 =	simm.s32 $_size__tile_overlayer_lowered;
	s6 =	simm.s32 $_tile_overlayer_lowered  }
0x9b: {  	s22 =	simm.s32 $0x1BFF;
	s21 =	sshll.u32 s6, $0x1;
	s3 =	sadd.s32 s4, s19  }
0x9c: {  	s7 =	simm.s32 $0x0;
	s20 =	sshll.u32 s5, $0x1;
	s5 =	sadd.s32 s21, s3  }
0x9d: {  	[timem:s7], [sflag:s22] =	dma.local [hbm:s5], s20  }
0x9e: {  	_ =	swait.ge [sflag:s22], s20  }
0x9f: {  	s4 =	ssub.s32 $0x0, s20;
	[sflag:s22] =	ssyncset.done $0x0  }
0xa0: {  	[sflag:s22] =	ssyncadd.s32 s4;
	_ =	sdelay $0x1  }
0xa1: {  	s23 =	simm.s32 $0x1B8B  }
0xa2: {  	_ =	swait.ge [sflag:s23], $0x1  }
0xa3: {  	[sflag:s23] =	ssyncset.done $0x0  }
0xa4: {  	s25 =	simm.s32 $0x1B8E;
	s24 =	sld [smem:$0x3FFE];
	[sflag:s23] =	ssyncadd.s32 $0xFFFFFFFF  }
0xa5: {  	s26 =	simm.s32 $execute0_lowered;
	[smem:$0x3FD2] =	sst s25  }
0xa6: {  	s5 =	sshll.u32 s26, $0x1;
	_ =	strace $0x80000049;
	[dreg:$0x1] =	wrdreg $0xFFFFFFFF  }
0xa7: {  	s28 =	simm.s32 $_size_execute0_lowered;
	s3 =	sadd.s32 s3, s5;
	[dreg:$0x0] =	wrdreg $0x0  }
0xa8: {  	s5 =	sshll.u32 s28, $0x1;
	[dreg:$0x2] =	wrdreg s3  }
0xa9: {  	[dreg:$0x3] =	wrdreg s5  }
0xaa: {  	[dreg:$0x4] =	wrdreg $0xC0  }
0xab: {  	_ =	task [dreg:s7], $0x5FFFF  }
0xac: {  	[dreg:$0x1] =	wrdreg $0xFFFFFFFF  }
0xad: {  	[dreg:$0x0] =	wrdreg $0x60  }
0xae: {  	[dreg:$0x2] =	wrdreg s2  }
0xaf: {  	[dreg:$0x3] =	wrdreg s24  }
0xb0: {  	[dreg:$0x4] =	wrdreg $0xA8000  }
0xb1: {  	[dreg:$0x5] =	wrdreg $0x9  }
0xb2: {  	_ =	task.clear_ibuf [dreg:s7], $0x6FFFF;
	_ =	strace $0x90000049  }
0xb3: {  	s29 =	simm.s32 $0x9;
	_ =	strace $0x8000004B  }
0xb4: {  	_ =	swait.ge [sflag:s29], $0x1  }
0xb5: {  	[sflag:s29] =	ssyncadd.s32 $0xFFFFFFFF  }
0xb6: {  	_ =	strace $0x9000004B  }
0xb7: {  	_ =	sfence  }
0xb8: {  	s30 =	sld [smem:$0x0];
	_ =	sdelay $0x2  }
0xb9: {  	s31 =	sshll.u32 s1, $0xD;
	s1 =	sshrl.u32 s1, $0x2  }
0xba: {  	s3 =	sand.u32 $0x4000, s31;
	s1 =	sadd.s32 s1, s30  }
0xbb: {  	s0 =	sor.u32 s3, s0;
	s1 =	sshll.u32 s1, $0x11  }
0xbc: {  	s0 =	sor.u32 s1, s0  }
0xbd: {  	s0 =	sadd.s32 $0x8F2B, s0  }
0xbe: {  	[sflag:s0] =	ssyncadd.remote.s32 $0x1  }
0xbf: {  	_ =	sfence.sel $0xFFFF  }
0xc0: {  	[dreg:$0x0] =	wrdreg $0xFFFFFFFF;
	(pc) =	sbr.abs _section_cstart, $3  }
0xc1: {  	[dreg:$0x1] =	wrdreg $0xFFFFFFFF  }
0xc2: {  	_ =	task.clear_ibuf [dreg:s7], $0x2FFFF;
	_ =	strace $0x9FFFFFFF  }
0xc3: {  	(tm) =	ssettm $0x7FFFFFFF  }
tec
execute0_lowered:
.L_overlay_start_1:
0x0: {  	(tag) =	ssettag $0x1  }
0x1: {  	s1 =	rddreg [dreg:$0x0]  }
0x2: {  	s5 =	rddreg [dreg:$0x1]  }
0x3: {  	s3 =	rddreg [dreg:$0x2]  }
0x4: {  	s0 =	rddreg [dreg:$0x3];
	s4 =	simm.s32 $0x0  }
0x5: {  	s2 =	stileid.u32;
	s6 =	srdreg.scid;
	s16 =	simm.s32 $0x7D  }
0x6: {  	s17 =	simm.s32 $0x2800;
	s18 =	simm.s32 $0x80;
	s19 =	simm.s32 $0x6800  }
0x7: {  	s20 =	simm.s32 $0x1;
	s21 =	simm.s32 $0x2;
	s22 =	simm.s32 $0x2700  }
0x8: {  	s23 =	simm.s32 $0x2780;
	s24 =	simm.s32 $0x0;
	[smem:$0x7FF] =	sst s4  }
0x9: {  	s7 =	smul.u32 $0x2780, s2;
	s6 =	sand.u32 $0x1, s6;
	s9 =	sadd.s32 $0x2A00, s5  }
0xa: {  	s10 =	sadd.s32 $0xCA00, s5;
	s13 =	smul.u32 $0x4F000, s2;
	s29 =	sshll.u32 s2, $0x6  }
0xb: {  	_ =	strace $0x8000004A;
	s8 =	smul.u32 $0x2AF80, s6;
	s12 =	sshll.u32 s6, $0x4  }
0xc: {  	s6 =	ssub.s32 $0x2, s6;
	s11 =	sadd.s32 s7, s5;
	s26 =	sor.u32 s2, s12  }
0xd: {  	s28 =	sshrl.u32 s6, $0x1;
	s13 =	sshrl.u32 s13, $0x2;
	s7 =	sadd.s32 s7, s8  }
0xe: {  	s14 =	smul.u32 $0x2800, s26;
	s12 =	ssub.s32 s6, s28;
	s13 =	sadd.s32 s13, s3  }
0xf: {  	s8 =	smul.u32 $0x500, s26;
	s6 =	sor.u32 $0x1C03, s29;
	s15 =	sadd.s32 s7, s5  }
0x10: {  	s5 =	sadd.s32 $0x16A00, s11;
	s12 =	smax.u32 s12, $0x1;
	s13 =	sshrl.u32 s13, $0x3  }
0x11: {  	s30 =	sshrl.u32 s14, $0x3;
	s7 =	sadd.s32 s9, s8;
	s8 =	sadd.s32 s10, s8  }
0x12: {  	s11 =	sadd.s32 $0x3EA00, s15;
	s14 =	simm.s32 $0x3;
	s31 =	sadd.s32 $0x280, s30  }
0x13: {  	s15 =	simm.s32 $0x1400;
	s9 =	sadd.s32 s9, s31;
	s10 =	sadd.s32 s10, s31  }
.LBB2_1:
0x14: {  	[spmem:s13], [sflag:s6] =	dma.local [hbm:s5], $0x2780  }
0x15: {  	_ =	swait.ge [sflag:s14], $0x2780  }
0x16: {  	[sflag:s14] =	ssyncset.done $0x0  }
0x17: {  	[sflag:s14] =	ssyncadd.s32 $0xFFFFD880  }
0x18: {  	[bflag:$0x0] =	sbarrier.arrive $0xFFFF  }
0x19: {  	[tilespmem:s4], [sflag:$0x3] =	stream.linear.gather [hbm4b:s7+s4], $0x1400, $0x38;
	[tilespmem:$0x1E400] =	vst v63  }
0x1a: {  	_ =	swait.ge [sflag:s14], $0x1400  }
0x1b: {  	[sflag:s14] =	ssyncset.done $0x0  }
0x1c: {  	[sflag:s14] =	ssyncadd.s32 $0xFFFFEC00  }
0x1d: {  	[tilespmem:s15], [sflag:$0x3] =	stream.linear.gather [hbm4b:s8+s4], $0x1400, $0x38;
	[tilespmem:$0x1E400] =	vst v63  }
0x1e: {  	_ =	swait.ge [sflag:s14], $0x1400  }
0x1f: {  	[sflag:s14] =	ssyncset.done $0x0  }
0x20: {  	[sflag:s14] =	ssyncadd.s32 $0xFFFFEC00  }
0x21: {  	[tilespmem:s17], [sflag:$0x1] =	stream.indirect.gather [hbm4b:s1+s16], $0x80, s4, s16, $0xb8;
	[tilespmem:$0x1E400] =	vst v63  }
0x22: {  	_ = 	snop  }
0x23: {  	[tilespmem:s19], [sflag:$0x2] =	stream.indirect.gather [hbm4b:s1+s16], $0x80, s18, s16, $0xb8;
	[tilespmem:$0x1E400] =	vst v63  }
0x24: {  	_ =	swait.ge [sflag:s20], $0x3E80  }
0x25: {  	[sflag:s20] =	ssyncset.done $0x0  }
0x26: {  	s25 =	simm.s32 $0x1400;
	[sflag:s20] =	ssyncadd.s32 $0xFFFFC180  }
0x27: {  	[spmem:s3] =	stream.indirect.scatter.add.f32 [tilespmem:s17], [sflag:$0x3], $0x80, s25, s16, $0xb8;
	[tilespmem:$0x1E400] =	vst v63  }
0x28: {  	_ =	swait.ge [sflag:s14], $0x3E80  }
0x29: {  	[sflag:s14] =	ssyncset.done $0x0  }
0x2a: {  	s30 =	simm.s32 $0x100;
	[sflag:s14] =	ssyncadd.s32 $0xFFFFC180  }
0x2b: {  	[tilespmem:s17], [sflag:$0x1] =	stream.indirect.gather [hbm4b:s1+s16], $0x80, s30, s16, $0xb8;
	[tilespmem:$0x1E400] =	vst v63  }
0x2c: {  	_ =	swait.ge [sflag:s21], $0x3E80  }
0x2d: {  	[sflag:s21] =	ssyncset.done $0x0  }
0x2e: {  	s31 =	simm.s32 $0x1480;
	[sflag:s21] =	ssyncadd.s32 $0xFFFFC180  }
0x2f: {  	[spmem:s3] =	stream.indirect.scatter.add.f32 [tilespmem:s19], [sflag:$0x3], $0x80, s31, s16, $0xb8;
	[tilespmem:$0x1E400] =	vst v63  }
0x30: {  	_ =	swait.ge [sflag:s14], $0x3E80  }
0x31: {  	[sflag:s14] =	ssyncset.done $0x0  }
0x32: {  	s26 =	simm.s32 $0x180;
	s25 =	simm.s32 $0x400;
	[sflag:s14] =	ssyncadd.s32 $0xFFFFC180  }
.LBB2_2:
0x33: {  	[tilespmem:s19], [sflag:$0x2] =	stream.indirect.gather [hbm4b:s1+s16], $0x80, s26, s16, $0xb8;
	[tilespmem:$0x1E400] =	vst v63  }
0x34: {  	s26 =	smov.u32 s25  }
0x35: {  	p0 =	sne.s32 s25, $0x4800;
	s25 =	sadd.s32 $0x400, s25;
	_ =	swait.ge [sflag:s20], $0x3E80  }
0x36: {  	s26 =	sshra.s32 s26, $0x2;
	[sflag:s20] =	ssyncset.done $0x0  }
0x37: {  	s28 =	sadd.s32 $0x1400, s26;
	[sflag:s20] =	ssyncadd.s32 $0xFFFFC180  }
0x38: {  	[spmem:s3] =	stream.indirect.scatter.add.f32 [tilespmem:s17], [sflag:$0x3], $0x80, s28, s16, $0xb8;
	[tilespmem:$0x1E400] =	vst v63  }
0x39: {  	_ =	swait.ge [sflag:s14], $0x3E80  }
0x3a: {  	[sflag:s14] =	ssyncset.done $0x0  }
0x3b: {  	s28 =	sadd.s32 $0x100, s26;
	[sflag:s14] =	ssyncadd.s32 $0xFFFFC180  }
0x3c: {  	[tilespmem:s17], [sflag:$0x1] =	stream.indirect.gather [hbm4b:s1+s16], $0x80, s28, s16, $0xb8;
	[tilespmem:$0x1E400] =	vst v63  }
0x3d: {  	_ =	swait.ge [sflag:s21], $0x3E80  }
0x3e: {  	[sflag:s21] =	ssyncset.done $0x0  }
.Ltmp0:
0x3f: {  	s28 =	sadd.s32 $0x1480, s26;
	[sflag:s21] =	ssyncadd.s32 $0xFFFFC180;
	(pc) =	sbr.rel @p0 .LBB2_2-.Ltmp0, $4  }
0x40: {  	[spmem:s3] =	stream.indirect.scatter.add.f32 [tilespmem:s19], [sflag:$0x3], $0x80, s28, s16, $0xb8;
	[tilespmem:$0x1E400] =	vst v63  }
0x41: {  	_ =	swait.ge [sflag:s14], $0x3E80  }
0x42: {  	[sflag:s14] =	ssyncset.done $0x0  }
0x43: {  	s26 =	sadd.s32 $0x180, s26;
	[sflag:s14] =	ssyncadd.s32 $0xFFFFC180  }
0x44: {  	[tilespmem:s19], [sflag:$0x2] =	stream.indirect.gather [hbm4b:s1+s16], $0x80, s26, s16, $0xb8;
	[tilespmem:$0x1E400] =	vst v63  }
0x45: {  	_ =	swait.ge [sflag:s20], $0x3E80  }
0x46: {  	[sflag:s20] =	ssyncset.done $0x0  }
0x47: {  	[sflag:s20] =	ssyncadd.s32 $0xFFFFC180  }
0x48: {  	[spmem:s3] =	stream.indirect.scatter.add.f32 [tilespmem:s17], [sflag:$0x3], $0x80, s22, s16, $0xb8;
	[tilespmem:$0x1E400] =	vst v63  }
0x49: {  	_ =	swait.ge [sflag:s14], $0x3E80  }
0x4a: {  	[sflag:s14] =	ssyncset.done $0x0  }
0x4b: {  	[sflag:s14] =	ssyncadd.s32 $0xFFFFC180  }
0x4c: {  	_ =	swait.ge [sflag:s21], $0x3E80  }
0x4d: {  	[sflag:s21] =	ssyncset.done $0x0  }
0x4e: {  	[sflag:s21] =	ssyncadd.s32 $0xFFFFC180  }
0x4f: {  	[spmem:s3] =	stream.indirect.scatter.add.f32 [tilespmem:s19], [sflag:$0x3], $0x80, s23, s16, $0xb8;
	[tilespmem:$0x1E400] =	vst v63  }
0x50: {  	_ =	swait.ge [sflag:s14], $0x3E80  }
0x51: {  	[sflag:s14] =	ssyncset.done $0x0  }
0x52: {  	s25 =	simm.s32 $0x0;
	[sflag:s14] =	ssyncadd.s32 $0xFFFFC180  }
0x53: {  	[tilespmem:s25], [sflag:$0x3] =	stream.linear.gather [hbm4b:s9+s25], $0x1400, $0x38;
	[tilespmem:$0x1E400] =	vst v63  }
0x54: {  	_ =	swait.ge [sflag:s14], $0x1400  }
0x55: {  	[sflag:s14] =	ssyncset.done $0x0  }
0x56: {  	[sflag:s14] =	ssyncadd.s32 $0xFFFFEC00  }
0x57: {  	[tilespmem:s15], [sflag:$0x3] =	stream.linear.gather [hbm4b:s10+s25], $0x1400, $0x38;
	[tilespmem:$0x1E400] =	vst v63  }
0x58: {  	_ =	swait.ge [sflag:s14], $0x1400  }
0x59: {  	[sflag:s14] =	ssyncset.done $0x0  }
0x5a: {  	[sflag:s14] =	ssyncadd.s32 $0xFFFFEC00  }
0x5b: {  	[tilespmem:s17], [sflag:$0x1] =	stream.indirect.gather [hbm4b:s1+s16], $0x80, s25, s16, $0xb8;
	[tilespmem:$0x1E400] =	vst v63  }
0x5c: {  	_ = 	snop  }
0x5d: {  	[tilespmem:s19], [sflag:$0x2] =	stream.indirect.gather [hbm4b:s1+s16], $0x80, s18, s16, $0xb8;
	[tilespmem:$0x1E400] =	vst v63  }
0x5e: {  	_ =	swait.ge [sflag:s20], $0x3E80  }
0x5f: {  	[sflag:s20] =	ssyncset.done $0x0  }
0x60: {  	s29 =	simm.s32 $0x1400;
	[sflag:s20] =	ssyncadd.s32 $0xFFFFC180  }
0x61: {  	[spmem:s3] =	stream.indirect.scatter.add.f32 [tilespmem:s17], [sflag:$0x3], $0x80, s29, s16, $0xb8;
	[tilespmem:$0x1E400] =	vst v63  }
0x62: {  	_ =	swait.ge [sflag:s14], $0x3E80  }
0x63: {  	[sflag:s14] =	ssyncset.done $0x0  }
0x64: {  	s30 =	simm.s32 $0x100;
	[sflag:s14] =	ssyncadd.s32 $0xFFFFC180  }
0x65: {  	[tilespmem:s17], [sflag:$0x1] =	stream.indirect.gather [hbm4b:s1+s16], $0x80, s30, s16, $0xb8;
	[tilespmem:$0x1E400] =	vst v63  }
0x66: {  	_ =	swait.ge [sflag:s21], $0x3E80  }
0x67: {  	[sflag:s21] =	ssyncset.done $0x0  }
0x68: {  	s31 =	simm.s32 $0x1480;
	[sflag:s21] =	ssyncadd.s32 $0xFFFFC180  }
0x69: {  	[spmem:s3] =	stream.indirect.scatter.add.f32 [tilespmem:s19], [sflag:$0x3], $0x80, s31, s16, $0xb8;
	[tilespmem:$0x1E400] =	vst v63  }
0x6a: {  	_ =	swait.ge [sflag:s14], $0x3E80  }
0x6b: {  	[sflag:s14] =	ssyncset.done $0x0  }
0x6c: {  	s26 =	simm.s32 $0x180;
	s25 =	simm.s32 $0x400;
	[sflag:s14] =	ssyncadd.s32 $0xFFFFC180  }
.LBB2_4:
0x6d: {  	[tilespmem:s19], [sflag:$0x2] =	stream.indirect.gather [hbm4b:s1+s16], $0x80, s26, s16, $0xb8;
	[tilespmem:$0x1E400] =	vst v63  }
0x6e: {  	s26 =	smov.u32 s25  }
0x6f: {  	p0 =	sne.s32 s25, $0x4800;
	s25 =	sadd.s32 $0x400, s25;
	_ =	swait.ge [sflag:s20], $0x3E80  }
0x70: {  	s26 =	sshra.s32 s26, $0x2;
	[sflag:s20] =	ssyncset.done $0x0  }
0x71: {  	s28 =	sadd.s32 $0x1400, s26;
	[sflag:s20] =	ssyncadd.s32 $0xFFFFC180  }
0x72: {  	[spmem:s3] =	stream.indirect.scatter.add.f32 [tilespmem:s17], [sflag:$0x3], $0x80, s28, s16, $0xb8;
	[tilespmem:$0x1E400] =	vst v63  }
0x73: {  	_ =	swait.ge [sflag:s14], $0x3E80  }
0x74: {  	[sflag:s14] =	ssyncset.done $0x0  }
0x75: {  	s28 =	sadd.s32 $0x100, s26;
	[sflag:s14] =	ssyncadd.s32 $0xFFFFC180  }
0x76: {  	[tilespmem:s17], [sflag:$0x1] =	stream.indirect.gather [hbm4b:s1+s16], $0x80, s28, s16, $0xb8;
	[tilespmem:$0x1E400] =	vst v63  }
0x77: {  	_ =	swait.ge [sflag:s21], $0x3E80  }
0x78: {  	[sflag:s21] =	ssyncset.done $0x0  }
.Ltmp1:
0x79: {  	s28 =	sadd.s32 $0x1480, s26;
	[sflag:s21] =	ssyncadd.s32 $0xFFFFC180;
	(pc) =	sbr.rel @p0 .LBB2_4-.Ltmp1, $4  }
0x7a: {  	[spmem:s3] =	stream.indirect.scatter.add.f32 [tilespmem:s19], [sflag:$0x3], $0x80, s28, s16, $0xb8;
	[tilespmem:$0x1E400] =	vst v63  }
0x7b: {  	_ =	swait.ge [sflag:s14], $0x3E80  }
0x7c: {  	[sflag:s14] =	ssyncset.done $0x0  }
0x7d: {  	s26 =	sadd.s32 $0x180, s26;
	[sflag:s14] =	ssyncadd.s32 $0xFFFFC180  }
0x7e: {  	[tilespmem:s19], [sflag:$0x2] =	stream.indirect.gather [hbm4b:s1+s16], $0x80, s26, s16, $0xb8;
	[tilespmem:$0x1E400] =	vst v63  }
0x7f: {  	_ =	swait.ge [sflag:s20], $0x3E80  }
0x80: {  	[sflag:s20] =	ssyncset.done $0x0  }
0x81: {  	[sflag:s20] =	ssyncadd.s32 $0xFFFFC180  }
0x82: {  	[spmem:s3] =	stream.indirect.scatter.add.f32 [tilespmem:s17], [sflag:$0x3], $0x80, s22, s16, $0xb8;
	[tilespmem:$0x1E400] =	vst v63  }
0x83: {  	_ =	swait.ge [sflag:s14], $0x3E80  }
0x84: {  	[sflag:s14] =	ssyncset.done $0x0  }
0x85: {  	[sflag:s14] =	ssyncadd.s32 $0xFFFFC180  }
0x86: {  	_ =	swait.ge [sflag:s21], $0x3E80  }
0x87: {  	[sflag:s21] =	ssyncset.done $0x0  }
0x88: {  	[sflag:s21] =	ssyncadd.s32 $0xFFFFC180  }
0x89: {  	[spmem:s3] =	stream.indirect.scatter.add.f32 [tilespmem:s19], [sflag:$0x3], $0x80, s23, s16, $0xb8;
	[tilespmem:$0x1E400] =	vst v63  }
0x8a: {  	_ =	swait.ge [sflag:s14], $0x3E80  }
0x8b: {  	s24 =	sadd.s32 $0x1, s24;
	[sflag:s14] =	ssyncset.done $0x0  }
0x8c: {  	p0 =	sne.s32 s24, s12;
	[sflag:s14] =	ssyncadd.s32 $0xFFFFC180  }
.Ltmp2:
0x8d: {  	[bflag:$0x0] =	sbarrier.arrive $0xFFFF;
	(pc) =	sbr.rel @p0 .LBB2_1-.Ltmp2, $4  }
0x8e: {  	[hbm:s11], [sflag:s6] =	dma.local [spmem:s13], $0x2780  }
0x8f: {  	_ =	swait.ge [sflag:s14], $0x2780  }
0x90: {  	[sflag:s14] =	ssyncset.done $0x0  }
0x91: {  	[sflag:s14] =	ssyncadd.s32 $0xFFFFD880  }
0x92: {  	_ =	sfence.sel $0x180000  }
0x93: {  	[bflag:$0x0] =	sbarrier.arrive $0xFFFF  }
0x94: {  	p0 =	sne.s32 s2, $0x0;
	_ =	strace $0x9000004A  }
0x95: {  	s0 =	sadd.s32 @!p0 $0x100000, s0;
	[bflag:$0x2] =	sbarrier.arrive $0xFFFF  }
0x96: {  	[sflag:s0] =	ssyncadd.tile.s32 @!p0 $0x1;
	_ =	shalt  }
.Lfunc_end2:
_tile_overlayer_lowered:
.L_overlay_start_2:
0x97: {  	(tag) =	ssettag $0x2  }
0x98: {  	s0 =	rddreg [dreg:$0x0];
	s2 =	stileid.u32  }
0x99: {  	s1 =	rddreg [dreg:$0x1];
	p0 =	sne.s32 s2, $0x0  }
0x9a: {  	s3 =	rddreg [dreg:$0x2];
	[bflag:$0x3] =	sbarrier.arrive $0xFFFF;
	s2 =	simm.s32 @!p0 $0x1C03  }
0x9b: {  	[timem:s3], [sflag:s2] =	dma.local @!p0 [hbm:s0], s1  }
0x9c: {  	s0 =	simm.s32 @!p0 $0x3  }
0x9d: {  	_ =	swait.ge @!p0 [sflag:s0], s1  }
0x9e: {  	s1 =	ssub.s32 @!p0 $0x0, s1;
	[sflag:s0] =	ssyncset.done @!p0 $0x0  }
0x9f: {  	[sflag:s0] =	ssyncadd.s32 @!p0 s1  }
0xa0: {  	[bflag:$0x3] =	sbarrier.arrive $0xFFFF  }
0xa1: {  	_ =	shalt  }

// kernel: kernel.7.cloned.1.call-start
scs
__scs_entry_jumppad:
0x0: {  	(pc) =	sbr.rel $0x88, $3  }
0x1: {  	(tag) =	ssettag $0x0;
	lr =	simm.s32 $0x1  }
0x2: {  	[smem:$0x3F91] =	sst lr;
	_ =	strace $0xD0000000  }
0x3: {  	_ = 	snop  }
0x4: {  	_ = 	snop  }
0x5: {  	_ = 	snop  }
0x6: {  	_ = 	snop  }
0x7: {  	_ = 	snop  }
__scs_overlays_trampoline_lowered:
0x8: {  	[smem:$0x3FA0] =	sst s0  }
0x9: {  	[smem:$0x3FA1] =	sst s1  }
0xa: {  	[smem:$0x3FA2] =	sst s2  }
0xb: {  	[smem:$0x3FA3] =	sst s3  }
0xc: {  	[smem:$0x3FA4] =	sst s4  }
0xd: {  	[smem:$0x3FA5] =	sst s5  }
0xe: {  	[smem:$0x3FA6] =	sst s6  }
0xf: {  	[smem:$0x3FA7] =	sst s7  }
0x10: {  	[smem:$0x3FA8] =	sst s8  }
0x11: {  	[smem:$0x3FA9] =	sst s9;
	s0 =	simm.s32 @!p0 $0x0  }
0x12: {  	s1 =	sld [smem:$0x3F8F];
	s0 =	simm.s32 @p0 $0x1  }
0x13: {  	[smem:$0x3FAA] =	sst s0;
	s0 =	simm.s32 @!p1 $0x0  }
0x14: {  	s2 =	sld [smem:$0x3F8E];
	s0 =	simm.s32 @p1 $0x1  }
0x15: {  	[smem:$0x3FAB] =	sst s0;
	s0 =	simm.s32 @!p2 $0x0  }
0x16: {  	s3 =	sld [smem:$0x3FDB];
	s0 =	simm.s32 @p2 $0x1  }
0x17: {  	s4 =	simm.s32 $0x1BF5;
	[smem:$0x3FAD] =	sst s0  }
0x18: {  	s0 =	sld [smem:$0x3F90];
	_ =	swait.ge [sflag:s4], $0x0  }
0x19: {  	s7 =	sld [smem:$0x3F91]  }
0x1a: {  	s8 =	sadd.s32 $0xFFFFE003, lr  }
0x1b: {  	s9 =	sadd.s32 $0xFFFFFEF7, lr;
	s5 =	simm.s32 $0xFFFFFFFF;
	p2 =	slt.u32 s8, $0xFFFFF086  }
0x1c: {  	p1 =	slt.u32 s9, $0xF7A;
	s5 =	simm.s32 @!p2 $0x0  }
0x1d: {  	s5 =	simm.s32 @p1 $0x1;
	p0 =	seq.s32 s7, s2  }
0x1e: {  	s7 =	smul.u32 @!p0 $0xF7A, s2;
	p2 =	seq.s32 @!p0 s5, $0x0  }
0x1f: {  	s9 =	smul.u32 $0xF7A, s1;
	s8 =	simm.s32 @!p0 $0x1BF5;
	p2 =	por !p2, p0  }
0x20: {  	[sflag:s8] =	ssyncset.s32 @!p0 $0xFFFFF086;
	s6 =	sadd.s32 @!p0 s3, s7;
	s7 =	simm.s32 @!p0 $0x108  }
0x21: {  	s3 =	sadd.s32 s3, s9;
	s6 =	sadd.s32 @!p0 $0x88, s6;
	s7 =	simm.s32 @p2 $0x1082  }
0x22: {  	[simem:s7], [sflag:s8] =	dma.local @!p0 [hbm:s6], $0xF7A  }
0x23: {  	s9 =	sor.u32 $0xD0000000, s2;
	s6 =	simm.s32 $0x108;
	_ =	swait.ge @!p0 [sflag:s8], $0x0  }
0x24: {  	s3 =	sadd.s32 $0x88, s3;
	s6 =	simm.s32 @!p1 $0x1082;
	[sflag:s4] =	ssyncset.s32 $0xFFFFF086  }
0x25: {  	[simem:s6], [sflag:s4] =	dma.local [hbm:s3], $0xF7A  }
0x26: {  	[smem:$0x3F91] =	sst s1;
	(tag) =	ssettag s2;
	_ =	strace s9  }
0x27: {  	s1 =	sld [smem:$0x3FA1]  }
0x28: {  	s2 =	sld [smem:$0x3FA2]  }
0x29: {  	s4 =	sld [smem:$0x3FA4]  }
0x2a: {  	p0 =	seq.s32 s5, $0x0;
	s5 =	sld [smem:$0x3FA5]  }
0x2b: {  	s6 =	sld [smem:$0x3FA6]  }
0x2c: {  	s7 =	sld [smem:$0x3FA7]  }
0x2d: {  	s3 =	simm.s32 $0x108;
	s8 =	sld [smem:$0x3FA8]  }
0x2e: {  	s3 =	simm.s32 @!p0 $0x1082;
	s9 =	sld [smem:$0x3FA9]  }
0x2f: {  	lr =	sadd.s32 s0, s3;
	s0 =	sld [smem:$0x3FA0]  }
0x30: {  	s3 =	sld [smem:$0x3FA3]  }
0x31: {  	[smem:$0x3FAC] =	sst s10  }
0x32: {  	s10 =	sld [smem:$0x3FAA];
	_ =	sdelay $0x3  }
0x33: {  	p0 =	seq.s32 s10, $0x1;
	s10 =	sld [smem:$0x3FAC];
	_ =	sdelay $0x3  }
0x34: {  	[smem:$0x3FAC] =	sst s10  }
0x35: {  	s10 =	sld [smem:$0x3FAB];
	_ =	sdelay $0x3  }
0x36: {  	p1 =	seq.s32 s10, $0x1;
	s10 =	sld [smem:$0x3FAC];
	_ =	sdelay $0x3  }
0x37: {  	[smem:$0x3FAC] =	sst s10  }
0x38: {  	s10 =	sld [smem:$0x3FAD]  }
0x39: {  	_ = 	snop;
	(pc) =	sbr.ind lr, $3  }
0x3a: {  	_ = 	snop  }
0x3b: {  	_ = 	snop  }
0x3c: {  	p2 =	seq.s32 s10, $0x1;
	s10 =	sld [smem:$0x3FAC]  }
0x3d: {  	_ =	shalt  }
0x3e: {  	_ =	shalt  }
0x3f: {  	_ =	shalt  }
0x40: {  	_ =	shalt  }
0x41: {  	_ =	shalt  }
0x42: {  	_ =	shalt  }
0x43: {  	_ =	shalt  }
0x44: {  	_ =	shalt  }
0x45: {  	_ =	shalt  }
0x46: {  	_ =	shalt  }
0x47: {  	_ =	shalt  }
0x48: {  	_ =	shalt  }
0x49: {  	_ =	shalt  }
0x4a: {  	_ =	shalt  }
0x4b: {  	_ =	shalt  }
0x4c: {  	_ =	shalt  }
0x4d: {  	_ =	shalt  }
0x4e: {  	_ =	shalt  }
0x4f: {  	_ =	shalt  }
0x50: {  	_ =	shalt  }
0x51: {  	_ =	shalt  }
0x52: {  	_ =	shalt  }
0x53: {  	_ =	shalt  }
0x54: {  	_ =	shalt  }
0x55: {  	_ =	shalt  }
0x56: {  	_ =	shalt  }
0x57: {  	_ =	shalt  }
0x58: {  	_ =	shalt  }
0x59: {  	_ =	shalt  }
0x5a: {  	_ =	shalt  }
0x5b: {  	_ =	shalt  }
0x5c: {  	_ =	shalt  }
0x5d: {  	_ =	shalt  }
0x5e: {  	_ =	shalt  }
0x5f: {  	_ =	shalt  }
0x60: {  	_ =	shalt  }
0x61: {  	_ =	shalt  }
0x62: {  	_ =	shalt  }
0x63: {  	_ =	shalt  }
0x64: {  	_ =	shalt  }
0x65: {  	_ =	shalt  }
0x66: {  	_ =	shalt  }
0x67: {  	_ =	shalt  }
0x68: {  	_ =	shalt  }
0x69: {  	_ =	shalt  }
0x6a: {  	_ =	shalt  }
0x6b: {  	_ =	shalt  }
0x6c: {  	_ =	shalt  }
0x6d: {  	_ =	shalt  }
0x6e: {  	_ =	shalt  }
0x6f: {  	_ =	shalt  }
0x70: {  	_ =	shalt  }
0x71: {  	_ =	shalt  }
0x72: {  	_ =	shalt  }
0x73: {  	_ =	shalt  }
0x74: {  	_ =	shalt  }
0x75: {  	_ =	shalt  }
0x76: {  	_ =	shalt  }
0x77: {  	_ =	shalt  }
0x78: {  	_ =	shalt  }
0x79: {  	_ =	shalt  }
0x7a: {  	_ =	shalt  }
0x7b: {  	_ =	shalt  }
0x7c: {  	_ =	shalt  }
0x7d: {  	_ =	shalt  }
0x7e: {  	_ =	shalt  }
0x7f: {  	_ =	shalt  }
0x80: {  	_ =	shalt  }
0x81: {  	_ =	shalt  }
0x82: {  	_ =	shalt  }
0x83: {  	_ =	shalt  }
0x84: {  	_ =	shalt  }
0x85: {  	_ =	shalt  }
0x86: {  	_ =	shalt  }
0x87: {  	_ =	shalt  }
.Lfunc_end0:
.L_simem_size_0:
called_computation_lowered:
.L_overlay_start_0:
0x88: {  	s2 =	sld [smem:$0x3FD9]  }
0x89: {  	s3 =	sld [smem:$0x3FFE];
	_ =	sdelay $0x1  }
0x8a: {  	s1 =	srdreg.scid  }
0x8b: {  	s0 =	sand.u32 $0x1, s1  }
0x8c: {  	s17 =	sshll.u32 s0, $0xA;
	s2 =	sadd.s32 s3, s2  }
0x8d: {  	s2 =	sadd.s32 s2, s17  }
0x8e: {  	[smem:$0x3FB8] =	sst s2  }
0x8f: {  	_ = 	snop  }
0x90: {  	s2 =	sld [smem:$0x3FD0];
	(tm) =	ssettm $0x1  }
0x91: {  	s18 =	sld [smem:$0x3FFB];
	_ =	sdelay $0x3  }
0x92: {  	_ =	strace s18  }
0x93: {  	s3 =	sld [smem:$0x3FFC];
	_ =	sdelay $0x3  }
0x94: {  	_ =	strace s3  }
0x95: {  	s3 =	sld [smem:$0x3FFD];
	_ =	sdelay $0x3  }
0x96: {  	_ =	strace s3  }
0x97: {  	_ =	strace $0x8FFFFFFF  }
0x98: {  	s19 =	sld [smem:$0x3FDB];
	_ =	sdelay $0x1  }
0x99: {  	s4 =	simm.s32 $_scs_section_size  }
0x9a: {  	s5 =	simm.s32 $_size__tile_overlayer_lowered;
	s6 =	simm.s32 $_tile_overlayer_lowered  }
0x9b: {  	s22 =	simm.s32 $0x1BFF;
	s21 =	sshll.u32 s6, $0x1;
	s3 =	sadd.s32 s4, s19  }
0x9c: {  	s7 =	simm.s32 $0x0;
	s20 =	sshll.u32 s5, $0x1;
	s5 =	sadd.s32 s21, s3  }
0x9d: {  	[timem:s7], [sflag:s22] =	dma.local [hbm:s5], s20  }
0x9e: {  	_ =	swait.ge [sflag:s22], s20  }
0x9f: {  	s4 =	ssub.s32 $0x0, s20;
	[sflag:s22] =	ssyncset.done $0x0  }
0xa0: {  	[sflag:s22] =	ssyncadd.s32 s4;
	_ =	sdelay $0x1  }
0xa1: {  	s23 =	simm.s32 $0x1B8B  }
0xa2: {  	_ =	swait.ge [sflag:s23], $0x1  }
0xa3: {  	[sflag:s23] =	ssyncset.done $0x0  }
0xa4: {  	s25 =	simm.s32 $0x1B8E;
	s24 =	sld [smem:$0x3FFE];
	[sflag:s23] =	ssyncadd.s32 $0xFFFFFFFF  }
0xa5: {  	s26 =	simm.s32 $execute0_lowered;
	[smem:$0x3FD2] =	sst s25  }
0xa6: {  	s5 =	sshll.u32 s26, $0x1;
	_ =	strace $0x80000046;
	[dreg:$0x1] =	wrdreg $0xFFFFFFFF  }
0xa7: {  	s28 =	simm.s32 $_size_execute0_lowered;
	s3 =	sadd.s32 s3, s5;
	[dreg:$0x0] =	wrdreg $0x0  }
0xa8: {  	s5 =	sshll.u32 s28, $0x1;
	[dreg:$0x2] =	wrdreg s3  }
0xa9: {  	[dreg:$0x3] =	wrdreg s5  }
0xaa: {  	[dreg:$0x4] =	wrdreg $0xC0  }
0xab: {  	_ =	task [dreg:s7], $0x5FFFF  }
0xac: {  	[dreg:$0x1] =	wrdreg $0xFFFFFFFF  }
0xad: {  	[dreg:$0x0] =	wrdreg $0x60  }
0xae: {  	[dreg:$0x2] =	wrdreg s2  }
0xaf: {  	[dreg:$0x3] =	wrdreg s24  }
0xb0: {  	[dreg:$0x4] =	wrdreg $0xA8000  }
0xb1: {  	[dreg:$0x5] =	wrdreg $0x1E7000  }
0xb2: {  	[dreg:$0x6] =	wrdreg $0x9  }
0xb3: {  	_ =	task.clear_ibuf [dreg:s7], $0x7FFFF;
	_ =	strace $0x90000046  }
0xb4: {  	s29 =	simm.s32 $0x9;
	_ =	strace $0x80000048  }
0xb5: {  	_ =	swait.ge [sflag:s29], $0x1  }
0xb6: {  	[sflag:s29] =	ssyncadd.s32 $0xFFFFFFFF  }
0xb7: {  	_ =	strace $0x90000048  }
0xb8: {  	_ =	sfence  }
0xb9: {  	s30 =	sld [smem:$0x0];
	_ =	sdelay $0x2  }
0xba: {  	s31 =	sshll.u32 s1, $0xD;
	s1 =	sshrl.u32 s1, $0x2  }
0xbb: {  	s3 =	sand.u32 $0x4000, s31;
	s1 =	sadd.s32 s1, s30  }
0xbc: {  	s0 =	sor.u32 s3, s0;
	s1 =	sshll.u32 s1, $0x11  }
0xbd: {  	s0 =	sor.u32 s1, s0  }
0xbe: {  	s0 =	sadd.s32 $0x8F2B, s0  }
0xbf: {  	[sflag:s0] =	ssyncadd.remote.s32 $0x1  }
0xc0: {  	_ =	sfence.sel $0xFFFF  }
0xc1: {  	[dreg:$0x0] =	wrdreg $0xFFFFFFFF;
	(pc) =	sbr.abs _section_cstart, $3  }
0xc2: {  	[dreg:$0x1] =	wrdreg $0xFFFFFFFF  }
0xc3: {  	_ =	task.clear_ibuf [dreg:s7], $0x2FFFF;
	_ =	strace $0x9FFFFFFF  }
0xc4: {  	(tm) =	ssettm $0x7FFFFFFF  }
0xc5: {  	_ =	shalt  }
tec
execute0_lowered:
.L_overlay_start_1:
0x0: {  	(tag) =	ssettag $0x1  }
0x1: {  	s1 =	rddreg [dreg:$0x0]  }
0x2: {  	s0 =	rddreg [dreg:$0x1]  }
0x3: {  	s3 =	rddreg [dreg:$0x2]  }
0x4: {  	s4 =	rddreg [dreg:$0x3]  }
0x5: {  	s12 =	stileid.u32;
	s2 =	srdreg.scid;
	s5 =	simm.s32 $0x0  }
0x6: {  	s28 =	simm.s32 $0x1;
	s29 =	simm.s32 $0x2;
	s30 =	simm.s32 $0x2700  }
0x7: {  	s31 =	simm.s32 $0x2780;
	s6 =	smul.u32 $0x278, s12;
	s2 =	sand.u32 $0x1, s2  }
0x8: {  	[smem:$0x7FF] =	sst s5;
	s13 =	sadd.s32 $0x2A00, s0;
	s8 =	smul.u32 $0x2780, s12  }
0x9: {  	s14 =	sadd.s32 $0xCA00, s0;
	s11 =	sadd.s32 $0x3E800, s0;
	s19 =	smul.u32 $0x4F000, s12  }
0xa: {  	s24 =	sshll.u32 s12, $0x6;
	s7 =	smul.u32 $0x2AF8, s2;
	_ =	strace $0x80000047  }
0xb: {  	[dreg:$0x5] =	wrdreg s11;
	s18 =	ssub.s32 $0x2, s2;
	s2 =	sshll.u32 s2, $0x4  }
0xc: {  	s9 =	sshrl.u32 s6, $0x3;
	s8 =	sadd.s32 s8, s0;
	s20 =	sshrl.u32 s18, $0x1  }
0xd: {  	s2 =	sor.u32 s12, s2;
	s21 =	sshrl.u32 s19, $0x2;
	s19 =	simm.s32 $0x3  }
0xe: {  	s7 =	sadd.s32 s6, s7;
	s9 =	sadd.s32 s9, s0;
	s17 =	ssub.s32 s18, s20  }
0xf: {  	s22 =	smul.u32 $0x2800, s2;
	s18 =	sadd.s32 s21, s3;
	s23 =	sadd.s32 $0x16A00, s8  }
0x10: {  	s8 =	sor.u32 $0x1C03, s24;
	s2 =	smul.u32 $0x500, s2;
	s20 =	simm.s32 $0x1E400  }
0x11: {  	s21 =	simm.s32 $0x1E480;
	s24 =	simm.s32 $0x2800;
	s10 =	sshll.u32 s7, $0x4  }
0x12: {  	s7 =	sshrl.u32 s7, $0x3;
	[dreg:$0x6] =	wrdreg s23;
	s9 =	sadd.s32 $0x3E200, s9  }
0x13: {  	s17 =	smax.u32 s17, $0x1;
	s18 =	sshrl.u32 s18, $0x3;
	s23 =	simm.s32 $0x7D  }
0x14: {  	s15 =	sadd.s32 s10, s0;
	s0 =	sadd.s32 s7, s0;
	s25 =	sshrl.u32 s22, $0x3  }
0x15: {  	s10 =	sadd.s32 s6, s4;
	s11 =	sadd.s32 s13, s2;
	s12 =	sadd.s32 s14, s2  }
0x16: {  	s22 =	simm.s32 $0x1400;
	s26 =	sadd.s32 $0x280, s25;
	s15 =	sadd.s32 $0x3F600, s15  }
0x17: {  	s16 =	sadd.s32 $0x3EA00, s0;
	s25 =	simm.s32 $0x80;
	s0 =	simm.s32 $0x0  }
0x18: {  	s13 =	sadd.s32 s13, s26;
	s14 =	sadd.s32 s14, s26;
	s26 =	simm.s32 $0x6800  }
.LBB2_1:
0x19: {  	s2 =	rddreg [dreg:$0x6]  }
0x1a: {  	[spmem:s18], [sflag:s8] =	dma.local [hbm:s2], $0x2780  }
0x1b: {  	_ =	swait.ge [sflag:s19], $0x2780  }
0x1c: {  	[sflag:s19] =	ssyncset.done $0x0  }
0x1d: {  	s6 =	rddreg [dreg:$0x5];
	[sflag:s19] =	ssyncadd.s32 $0xFFFFD880  }
0x1e: {  	[tilespmem:s20], [sflag:$0x3] =	stream.linear.gather [hbm4b:s6+s5], $0x80, $0x38;
	[tilespmem:$0x1E978] =	vst v63  }
0x1f: {  	_ =	swait.ge [sflag:s19], $0x80  }
0x20: {  	[sflag:s19] =	ssyncset.done $0x0  }
0x21: {  	[sflag:s19] =	ssyncadd.s32 $0xFFFFFF80  }
0x22: {  	[tilespmem:s21], [sflag:$0x3] =	stream.linear.gather [hbm4b:s9+s5], $0x278, $0x38;
	[tilespmem:$0x1E978] =	vst v63  }
0x23: {  	_ =	swait.ge [sflag:s19], $0x278  }
0x24: {  	[sflag:s19] =	ssyncset.done $0x0  }
0x25: {  	[sflag:s19] =	ssyncadd.s32 $0xFFFFFD88  }
0x26: {  	[spmem:s10] =	stream.linear.scatter [tilespmem:s21], [sflag:$0x3], $0x278, $0x38;
	[tilespmem:$0x1E978] =	vst v63  }
0x27: {  	_ =	swait.ge [sflag:s19], $0x278  }
0x28: {  	[sflag:s19] =	ssyncset.done $0x0  }
0x29: {  	[sflag:s19] =	ssyncadd.s32 $0xFFFFFD88  }
0x2a: {  	[bflag:$0x0] =	sbarrier.arrive $0xFFFF  }
0x2b: {  	[tilespmem:s5], [sflag:$0x3] =	stream.linear.gather [hbm4b:s11+s5], $0x1400, $0x38;
	[tilespmem:$0x1E978] =	vst v63  }
0x2c: {  	_ =	swait.ge [sflag:s19], $0x1400  }
0x2d: {  	[sflag:s19] =	ssyncset.done $0x0  }
0x2e: {  	[sflag:s19] =	ssyncadd.s32 $0xFFFFEC00  }
0x2f: {  	[tilespmem:s22], [sflag:$0x3] =	stream.linear.gather [hbm4b:s12+s5], $0x1400, $0x38;
	[tilespmem:$0x1E978] =	vst v63  }
0x30: {  	_ =	swait.ge [sflag:s19], $0x1400  }
0x31: {  	[sflag:s19] =	ssyncset.done $0x0  }
0x32: {  	[sflag:s19] =	ssyncadd.s32 $0xFFFFEC00  }
0x33: {  	[tilespmem:s24], [sflag:$0x1] =	stream.indirect.gather [hbm4b:s1+s23], $0x80, s5, s23, $0xb8;
	[tilespmem:$0x1E978] =	vst v63  }
0x34: {  	_ = 	snop  }
0x35: {  	[tilespmem:s26], [sflag:$0x2] =	stream.indirect.gather [hbm4b:s1+s23], $0x80, s25, s23, $0xb8;
	[tilespmem:$0x1E978] =	vst v63  }
0x36: {  	_ =	swait.ge [sflag:s28], $0x3E80  }
0x37: {  	[sflag:s28] =	ssyncset.done $0x0  }
0x38: {  	s7 =	simm.s32 $0x1400;
	[sflag:s28] =	ssyncadd.s32 $0xFFFFC180  }
0x39: {  	[spmem:s3] =	stream.indirect.scatter.add.f32 [tilespmem:s24], [sflag:$0x3], $0x80, s7, s23, $0xb8;
	[tilespmem:$0x1E978] =	vst v63  }
0x3a: {  	_ =	swait.ge [sflag:s19], $0x3E80  }
0x3b: {  	[sflag:s19] =	ssyncset.done $0x0  }
0x3c: {  	[sflag:s19] =	ssyncadd.s32 $0xFFFFC180  }
0x3d: {  	[spmem:s4] =	stream.indirect.scatter.add.f32 [tilespmem:s20], [sflag:$0x3], $0x1, s7, s23, $0xb8;
	[tilespmem:$0x1E978] =	vst v63  }
0x3e: {  	_ =	swait.ge [sflag:s19], $0x7D  }
0x3f: {  	[sflag:s19] =	ssyncset.done $0x0  }
0x40: {  	s6 =	simm.s32 $0x100;
	[sflag:s19] =	ssyncadd.s32 $0xFFFFFF83  }
0x41: {  	[tilespmem:s24], [sflag:$0x1] =	stream.indirect.gather [hbm4b:s1+s23], $0x80, s6, s23, $0xb8;
	[tilespmem:$0x1E978] =	vst v63  }
0x42: {  	_ =	swait.ge [sflag:s29], $0x3E80  }
0x43: {  	[sflag:s29] =	ssyncset.done $0x0  }
0x44: {  	s7 =	simm.s32 $0x1480;
	[sflag:s29] =	ssyncadd.s32 $0xFFFFC180  }
0x45: {  	[spmem:s3] =	stream.indirect.scatter.add.f32 [tilespmem:s26], [sflag:$0x3], $0x80, s7, s23, $0xb8;
	[tilespmem:$0x1E978] =	vst v63  }
0x46: {  	_ =	swait.ge [sflag:s19], $0x3E80  }
0x47: {  	[sflag:s19] =	ssyncset.done $0x0  }
0x48: {  	[sflag:s19] =	ssyncadd.s32 $0xFFFFC180  }
0x49: {  	[spmem:s4] =	stream.indirect.scatter.add.f32 [tilespmem:s20], [sflag:$0x3], $0x1, s7, s23, $0xb8;
	[tilespmem:$0x1E978] =	vst v63  }
0x4a: {  	_ =	swait.ge [sflag:s19], $0x7D  }
0x4b: {  	[sflag:s19] =	ssyncset.done $0x0  }
0x4c: {  	s2 =	simm.s32 $0x400;
	s6 =	simm.s32 $0x180;
	[sflag:s19] =	ssyncadd.s32 $0xFFFFFF83  }
.LBB2_2:
0x4d: {  	[tilespmem:s26], [sflag:$0x2] =	stream.indirect.gather [hbm4b:s1+s23], $0x80, s6, s23, $0xb8;
	[tilespmem:$0x1E978] =	vst v63  }
0x4e: {  	s6 =	smov.u32 s2  }
0x4f: {  	p0 =	sne.s32 s2, $0x4800;
	s2 =	sadd.s32 $0x400, s2;
	_ =	swait.ge [sflag:s28], $0x3E80  }
0x50: {  	s6 =	sshra.s32 s6, $0x2;
	[sflag:s28] =	ssyncset.done $0x0  }
0x51: {  	s7 =	sadd.s32 $0x1400, s6;
	[sflag:s28] =	ssyncadd.s32 $0xFFFFC180  }
0x52: {  	[spmem:s3] =	stream.indirect.scatter.add.f32 [tilespmem:s24], [sflag:$0x3], $0x80, s7, s23, $0xb8;
	[tilespmem:$0x1E978] =	vst v63  }
0x53: {  	_ =	swait.ge [sflag:s19], $0x3E80  }
0x54: {  	[sflag:s19] =	ssyncset.done $0x0  }
0x55: {  	[sflag:s19] =	ssyncadd.s32 $0xFFFFC180  }
0x56: {  	[spmem:s4] =	stream.indirect.scatter.add.f32 [tilespmem:s20], [sflag:$0x3], $0x1, s7, s23, $0xb8;
	[tilespmem:$0x1E978] =	vst v63  }
0x57: {  	_ =	swait.ge [sflag:s19], $0x7D  }
0x58: {  	[sflag:s19] =	ssyncset.done $0x0  }
0x59: {  	s7 =	sadd.s32 $0x100, s6;
	[sflag:s19] =	ssyncadd.s32 $0xFFFFFF83  }
0x5a: {  	[tilespmem:s24], [sflag:$0x1] =	stream.indirect.gather [hbm4b:s1+s23], $0x80, s7, s23, $0xb8;
	[tilespmem:$0x1E978] =	vst v63  }
0x5b: {  	_ =	swait.ge [sflag:s29], $0x3E80  }
0x5c: {  	[sflag:s29] =	ssyncset.done $0x0  }
0x5d: {  	s7 =	sadd.s32 $0x1480, s6;
	[sflag:s29] =	ssyncadd.s32 $0xFFFFC180  }
0x5e: {  	[spmem:s3] =	stream.indirect.scatter.add.f32 [tilespmem:s26], [sflag:$0x3], $0x80, s7, s23, $0xb8;
	[tilespmem:$0x1E978] =	vst v63  }
0x5f: {  	_ =	swait.ge [sflag:s19], $0x3E80  }
0x60: {  	[sflag:s19] =	ssyncset.done $0x0  }
.Ltmp0:
0x61: {  	[sflag:s19] =	ssyncadd.s32 $0xFFFFC180;
	(pc) =	sbr.rel @p0 .LBB2_2-.Ltmp0, $4  }
0x62: {  	[spmem:s4] =	stream.indirect.scatter.add.f32 [tilespmem:s20], [sflag:$0x3], $0x1, s7, s23, $0xb8;
	[tilespmem:$0x1E978] =	vst v63  }
0x63: {  	_ =	swait.ge [sflag:s19], $0x7D  }
0x64: {  	[sflag:s19] =	ssyncset.done $0x0  }
0x65: {  	s6 =	sadd.s32 $0x180, s6;
	[sflag:s19] =	ssyncadd.s32 $0xFFFFFF83  }
0x66: {  	[tilespmem:s26], [sflag:$0x2] =	stream.indirect.gather [hbm4b:s1+s23], $0x80, s6, s23, $0xb8;
	[tilespmem:$0x1E978] =	vst v63  }
0x67: {  	_ =	swait.ge [sflag:s28], $0x3E80  }
0x68: {  	[sflag:s28] =	ssyncset.done $0x0  }
0x69: {  	[sflag:s28] =	ssyncadd.s32 $0xFFFFC180  }
0x6a: {  	[spmem:s3] =	stream.indirect.scatter.add.f32 [tilespmem:s24], [sflag:$0x3], $0x80, s30, s23, $0xb8;
	[tilespmem:$0x1E978] =	vst v63  }
0x6b: {  	_ =	swait.ge [sflag:s19], $0x3E80  }
0x6c: {  	[sflag:s19] =	ssyncset.done $0x0  }
0x6d: {  	[sflag:s19] =	ssyncadd.s32 $0xFFFFC180  }
0x6e: {  	[spmem:s4] =	stream.indirect.scatter.add.f32 [tilespmem:s20], [sflag:$0x3], $0x1, s30, s23, $0xb8;
	[tilespmem:$0x1E978] =	vst v63  }
0x6f: {  	_ =	swait.ge [sflag:s19], $0x7D  }
0x70: {  	[sflag:s19] =	ssyncset.done $0x0  }
0x71: {  	[sflag:s19] =	ssyncadd.s32 $0xFFFFFF83  }
0x72: {  	_ =	swait.ge [sflag:s29], $0x3E80  }
0x73: {  	[sflag:s29] =	ssyncset.done $0x0  }
0x74: {  	[sflag:s29] =	ssyncadd.s32 $0xFFFFC180  }
0x75: {  	[spmem:s3] =	stream.indirect.scatter.add.f32 [tilespmem:s26], [sflag:$0x3], $0x80, s31, s23, $0xb8;
	[tilespmem:$0x1E978] =	vst v63  }
0x76: {  	_ =	swait.ge [sflag:s19], $0x3E80  }
0x77: {  	[sflag:s19] =	ssyncset.done $0x0  }
0x78: {  	[sflag:s19] =	ssyncadd.s32 $0xFFFFC180  }
0x79: {  	[spmem:s4] =	stream.indirect.scatter.add.f32 [tilespmem:s20], [sflag:$0x3], $0x1, s31, s23, $0xb8;
	[tilespmem:$0x1E978] =	vst v63  }
0x7a: {  	_ =	swait.ge [sflag:s19], $0x7D  }
0x7b: {  	[sflag:s19] =	ssyncset.done $0x0  }
0x7c: {  	s2 =	simm.s32 $0x0;
	[sflag:s19] =	ssyncadd.s32 $0xFFFFFF83  }
0x7d: {  	[tilespmem:s2], [sflag:$0x3] =	stream.linear.gather [hbm4b:s13+s2], $0x1400, $0x38;
	[tilespmem:$0x1E978] =	vst v63  }
0x7e: {  	_ =	swait.ge [sflag:s19], $0x1400  }
0x7f: {  	[sflag:s19] =	ssyncset.done $0x0  }
0x80: {  	[sflag:s19] =	ssyncadd.s32 $0xFFFFEC00  }
0x81: {  	[tilespmem:s22], [sflag:$0x3] =	stream.linear.gather [hbm4b:s14+s2], $0x1400, $0x38;
	[tilespmem:$0x1E978] =	vst v63  }
0x82: {  	_ =	swait.ge [sflag:s19], $0x1400  }
0x83: {  	[sflag:s19] =	ssyncset.done $0x0  }
0x84: {  	[sflag:s19] =	ssyncadd.s32 $0xFFFFEC00  }
0x85: {  	[tilespmem:s24], [sflag:$0x1] =	stream.indirect.gather [hbm4b:s1+s23], $0x80, s2, s23, $0xb8;
	[tilespmem:$0x1E978] =	vst v63  }
0x86: {  	_ = 	snop  }
0x87: {  	[tilespmem:s26], [sflag:$0x2] =	stream.indirect.gather [hbm4b:s1+s23], $0x80, s25, s23, $0xb8;
	[tilespmem:$0x1E978] =	vst v63  }
0x88: {  	_ =	swait.ge [sflag:s28], $0x3E80  }
0x89: {  	[sflag:s28] =	ssyncset.done $0x0  }
0x8a: {  	s7 =	simm.s32 $0x1400;
	[sflag:s28] =	ssyncadd.s32 $0xFFFFC180  }
0x8b: {  	[spmem:s3] =	stream.indirect.scatter.add.f32 [tilespmem:s24], [sflag:$0x3], $0x80, s7, s23, $0xb8;
	[tilespmem:$0x1E978] =	vst v63  }
0x8c: {  	_ =	swait.ge [sflag:s19], $0x3E80  }
0x8d: {  	[sflag:s19] =	ssyncset.done $0x0  }
0x8e: {  	[sflag:s19] =	ssyncadd.s32 $0xFFFFC180  }
0x8f: {  	[spmem:s4] =	stream.indirect.scatter.add.f32 [tilespmem:s20], [sflag:$0x3], $0x1, s7, s23, $0xb8;
	[tilespmem:$0x1E978] =	vst v63  }
0x90: {  	_ =	swait.ge [sflag:s19], $0x7D  }
0x91: {  	[sflag:s19] =	ssyncset.done $0x0  }
0x92: {  	s6 =	simm.s32 $0x100;
	[sflag:s19] =	ssyncadd.s32 $0xFFFFFF83  }
0x93: {  	[tilespmem:s24], [sflag:$0x1] =	stream.indirect.gather [hbm4b:s1+s23], $0x80, s6, s23, $0xb8;
	[tilespmem:$0x1E978] =	vst v63  }
0x94: {  	_ =	swait.ge [sflag:s29], $0x3E80  }
0x95: {  	[sflag:s29] =	ssyncset.done $0x0  }
0x96: {  	s7 =	simm.s32 $0x1480;
	[sflag:s29] =	ssyncadd.s32 $0xFFFFC180  }
0x97: {  	[spmem:s3] =	stream.indirect.scatter.add.f32 [tilespmem:s26], [sflag:$0x3], $0x80, s7, s23, $0xb8;
	[tilespmem:$0x1E978] =	vst v63  }
0x98: {  	_ =	swait.ge [sflag:s19], $0x3E80  }
0x99: {  	[sflag:s19] =	ssyncset.done $0x0  }
0x9a: {  	[sflag:s19] =	ssyncadd.s32 $0xFFFFC180  }
0x9b: {  	[spmem:s4] =	stream.indirect.scatter.add.f32 [tilespmem:s20], [sflag:$0x3], $0x1, s7, s23, $0xb8;
	[tilespmem:$0x1E978] =	vst v63  }
0x9c: {  	_ =	swait.ge [sflag:s19], $0x7D  }
0x9d: {  	[sflag:s19] =	ssyncset.done $0x0  }
0x9e: {  	s2 =	simm.s32 $0x400;
	s6 =	simm.s32 $0x180;
	[sflag:s19] =	ssyncadd.s32 $0xFFFFFF83  }
.LBB2_4:
0x9f: {  	[tilespmem:s26], [sflag:$0x2] =	stream.indirect.gather [hbm4b:s1+s23], $0x80, s6, s23, $0xb8;
	[tilespmem:$0x1E978] =	vst v63  }
0xa0: {  	s6 =	smov.u32 s2  }
0xa1: {  	p0 =	sne.s32 s2, $0x4800;
	s2 =	sadd.s32 $0x400, s2;
	_ =	swait.ge [sflag:s28], $0x3E80  }
0xa2: {  	s6 =	sshra.s32 s6, $0x2;
	[sflag:s28] =	ssyncset.done $0x0  }
0xa3: {  	s7 =	sadd.s32 $0x1400, s6;
	[sflag:s28] =	ssyncadd.s32 $0xFFFFC180  }
0xa4: {  	[spmem:s3] =	stream.indirect.scatter.add.f32 [tilespmem:s24], [sflag:$0x3], $0x80, s7, s23, $0xb8;
	[tilespmem:$0x1E978] =	vst v63  }
0xa5: {  	_ =	swait.ge [sflag:s19], $0x3E80  }
0xa6: {  	[sflag:s19] =	ssyncset.done $0x0  }
0xa7: {  	[sflag:s19] =	ssyncadd.s32 $0xFFFFC180  }
0xa8: {  	[spmem:s4] =	stream.indirect.scatter.add.f32 [tilespmem:s20], [sflag:$0x3], $0x1, s7, s23, $0xb8;
	[tilespmem:$0x1E978] =	vst v63  }
0xa9: {  	_ =	swait.ge [sflag:s19], $0x7D  }
0xaa: {  	[sflag:s19] =	ssyncset.done $0x0  }
0xab: {  	s7 =	sadd.s32 $0x100, s6;
	[sflag:s19] =	ssyncadd.s32 $0xFFFFFF83  }
0xac: {  	[tilespmem:s24], [sflag:$0x1] =	stream.indirect.gather [hbm4b:s1+s23], $0x80, s7, s23, $0xb8;
	[tilespmem:$0x1E978] =	vst v63  }
0xad: {  	_ =	swait.ge [sflag:s29], $0x3E80  }
0xae: {  	[sflag:s29] =	ssyncset.done $0x0  }
0xaf: {  	s7 =	sadd.s32 $0x1480, s6;
	[sflag:s29] =	ssyncadd.s32 $0xFFFFC180  }
0xb0: {  	[spmem:s3] =	stream.indirect.scatter.add.f32 [tilespmem:s26], [sflag:$0x3], $0x80, s7, s23, $0xb8;
	[tilespmem:$0x1E978] =	vst v63  }
0xb1: {  	_ =	swait.ge [sflag:s19], $0x3E80  }
0xb2: {  	[sflag:s19] =	ssyncset.done $0x0  }
.Ltmp1:
0xb3: {  	[sflag:s19] =	ssyncadd.s32 $0xFFFFC180;
	(pc) =	sbr.rel @p0 .LBB2_4-.Ltmp1, $4  }
0xb4: {  	[spmem:s4] =	stream.indirect.scatter.add.f32 [tilespmem:s20], [sflag:$0x3], $0x1, s7, s23, $0xb8;
	[tilespmem:$0x1E978] =	vst v63  }
0xb5: {  	_ =	swait.ge [sflag:s19], $0x7D  }
0xb6: {  	[sflag:s19] =	ssyncset.done $0x0  }
0xb7: {  	s6 =	sadd.s32 $0x180, s6;
	[sflag:s19] =	ssyncadd.s32 $0xFFFFFF83  }
0xb8: {  	[tilespmem:s26], [sflag:$0x2] =	stream.indirect.gather [hbm4b:s1+s23], $0x80, s6, s23, $0xb8;
	[tilespmem:$0x1E978] =	vst v63  }
0xb9: {  	_ =	swait.ge [sflag:s28], $0x3E80  }
0xba: {  	[sflag:s28] =	ssyncset.done $0x0  }
0xbb: {  	[sflag:s28] =	ssyncadd.s32 $0xFFFFC180  }
0xbc: {  	[spmem:s3] =	stream.indirect.scatter.add.f32 [tilespmem:s24], [sflag:$0x3], $0x80, s30, s23, $0xb8;
	[tilespmem:$0x1E978] =	vst v63  }
0xbd: {  	_ =	swait.ge [sflag:s19], $0x3E80  }
0xbe: {  	[sflag:s19] =	ssyncset.done $0x0  }
0xbf: {  	[sflag:s19] =	ssyncadd.s32 $0xFFFFC180  }
0xc0: {  	[spmem:s4] =	stream.indirect.scatter.add.f32 [tilespmem:s20], [sflag:$0x3], $0x1, s30, s23, $0xb8;
	[tilespmem:$0x1E978] =	vst v63  }
0xc1: {  	_ =	swait.ge [sflag:s19], $0x7D  }
0xc2: {  	[sflag:s19] =	ssyncset.done $0x0  }
0xc3: {  	[sflag:s19] =	ssyncadd.s32 $0xFFFFFF83  }
0xc4: {  	_ =	swait.ge [sflag:s29], $0x3E80  }
0xc5: {  	[sflag:s29] =	ssyncset.done $0x0  }
0xc6: {  	[sflag:s29] =	ssyncadd.s32 $0xFFFFC180  }
0xc7: {  	[spmem:s3] =	stream.indirect.scatter.add.f32 [tilespmem:s26], [sflag:$0x3], $0x80, s31, s23, $0xb8;
	[tilespmem:$0x1E978] =	vst v63  }
0xc8: {  	_ =	swait.ge [sflag:s19], $0x3E80  }
0xc9: {  	[sflag:s19] =	ssyncset.done $0x0  }
0xca: {  	[sflag:s19] =	ssyncadd.s32 $0xFFFFC180  }
0xcb: {  	[spmem:s4] =	stream.indirect.scatter.add.f32 [tilespmem:s20], [sflag:$0x3], $0x1, s31, s23, $0xb8;
	[tilespmem:$0x1E978] =	vst v63  }
0xcc: {  	_ =	swait.ge [sflag:s19], $0x7D  }
0xcd: {  	[sflag:s19] =	ssyncset.done $0x0  }
0xce: {  	[sflag:s19] =	ssyncadd.s32 $0xFFFFFF83  }
0xcf: {  	[bflag:$0x0] =	sbarrier.arrive $0xFFFF  }
0xd0: {  	[hbm:s15], [sflag:s8] =	dma.local [spmem:s18], $0x2780  }
0xd1: {  	_ =	swait.ge [sflag:s19], $0x2780  }
0xd2: {  	[sflag:s19] =	ssyncset.done $0x0  }
0xd3: {  	[sflag:s19] =	ssyncadd.s32 $0xFFFFD880  }
0xd4: {  	[tilespmem:s21], [sflag:$0x3] =	stream.linear.gather [spmem:s10], $0x278, $0x38;
	[tilespmem:$0x1E978] =	vst v63  }
0xd5: {  	s0 =	sadd.s32 $0x1, s0;
	_ =	swait.ge [sflag:s19], $0x278  }
0xd6: {  	p0 =	sne.s32 s0, s17;
	[sflag:s19] =	ssyncset.done $0x0  }
.Ltmp2:
0xd7: {  	[sflag:s19] =	ssyncadd.s32 $0xFFFFFD88;
	(pc) =	sbr.rel @p0 .LBB2_1-.Ltmp2, $4  }
0xd8: {  	[hbm4b:s16+s5] =	stream.linear.scatter [tilespmem:s21], [sflag:$0x3], $0x278, $0x38;
	[tilespmem:$0x1E978] =	vst v63  }
0xd9: {  	_ =	swait.ge [sflag:s19], $0x278  }
0xda: {  	[sflag:s19] =	ssyncset.done $0x0  }
0xdb: {  	[sflag:s19] =	ssyncadd.s32 $0xFFFFFD88  }
0xdc: {  	_ =	sfence.sel $0x180000  }
0xdd: {  	[bflag:$0x0] =	sbarrier.arrive $0xFFFF  }
0xde: {  	_ =	strace $0x90000047  }
0xdf: {  	s0 =	stileid.u32;
	[bflag:$0x2] =	sbarrier.arrive $0xFFFF  }
0xe0: {  	p0 =	sne.s32 s0, $0x0;
	s0 =	rddreg [dreg:$0x4]  }
0xe1: {  	s0 =	sadd.s32 @!p0 $0x100000, s0  }
0xe2: {  	[sflag:s0] =	ssyncadd.tile.s32 @!p0 $0x1;
	_ =	shalt  }
.Lfunc_end2:
_tile_overlayer_lowered:
.L_overlay_start_2:
0xe3: {  	(tag) =	ssettag $0x2  }
0xe4: {  	s0 =	rddreg [dreg:$0x0];
	s2 =	stileid.u32  }
0xe5: {  	s1 =	rddreg [dreg:$0x1];
	p0 =	sne.s32 s2, $0x0  }
0xe6: {  	s3 =	rddreg [dreg:$0x2];
	[bflag:$0x3] =	sbarrier.arrive $0xFFFF;
	s2 =	simm.s32 @!p0 $0x1C03  }
0xe7: {  	[timem:s3], [sflag:s2] =	dma.local @!p0 [hbm:s0], s1  }
0xe8: {  	s0 =	simm.s32 @!p0 $0x3  }
0xe9: {  	_ =	swait.ge @!p0 [sflag:s0], s1  }
0xea: {  	s1 =	ssub.s32 @!p0 $0x0, s1;
	[sflag:s0] =	ssyncset.done @!p0 $0x0  }
0xeb: {  	[sflag:s0] =	ssyncadd.s32 @!p0 s1  }
0xec: {  	[bflag:$0x3] =	sbarrier.arrive $0xFFFF  }
0xed: {  	_ =	shalt  }

</sc_bundles>
